<compile_context>
chip_gen: v7x
topology: tpu7x:2x2x1
jax: 0.10.2.dev20260603
libtpu: 0.0.44.dev20260713+nightly
codegen_flags: <defaults>
</compile_context>

<pallas_src>
import functools

import jax
import jax.numpy as jnp
from jax import lax
from jax.experimental import pallas as pl
from jax.experimental.pallas import tpu as pltpu
from jax.experimental.pallas import tpu_sc as plsc

_N = 10000
_NH = 8
_D = 64
_E = 160000
_EB = 2048
_EPAD = 163840
_S = 2048
_T = 2000
_HI = lax.Precision.HIGHEST
_NW = 32



def _tf_body(f_ref, w_ref, b_ref, o_ref):
    o_ref[...] = (
        jnp.dot(f_ref[...], w_ref[0], precision=_HI,
                preferred_element_type=jnp.float32)
        + b_ref[0]
    )


def _type_transform(featcat, wstack, bstack):
    def _wmap(i):
        return (jnp.where(i < 2, 0, jnp.where(i < 6, 1, 2)), 0, 0)

    return pl.pallas_call(
        _tf_body,
        grid=(10,),
        in_specs=[
            pl.BlockSpec((1000, 128), lambda i: (i, 0)),
            pl.BlockSpec((1, 128, _D), _wmap),
            pl.BlockSpec((1, 1, _D), _wmap),
        ],
        out_specs=pl.BlockSpec((1000, _D), lambda i: (i, 0)),
        out_shape=jax.ShapeDtypeStruct((_N, _D), jnp.float32),
    )(featcat, wstack, bstack)



def _pack_bf16(v):
    xi = lax.bitcast_convert_type(v, jnp.int32)
    lo = lax.shift_right_logical(xi[:, :_D // 2] + 0x8000, 16)
    hi = (xi[:, _D // 2:] + 0x8000) & jnp.int32(-65536)
    return lo | hi


def _unpack_bf16(x):
    lo = lax.bitcast_convert_type(lax.shift_left(x, 16), jnp.float32)
    hi = lax.bitcast_convert_type(x & jnp.int32(-65536), jnp.float32)
    return lo, hi



def _hgnn_body(emb_ref, tfb_ref, emb0t_ref, wac_ref, wact_ref, fsrc_ref,
               o_ref):
    i = pl.program_id(0)

    @pl.when(i < 2)
    def _copy():
        o_ref[...] = _pack_bf16(tfb_ref[...])

    @pl.when(i >= 2)
    def _complete():
        embb = emb_ref[...].astype(jnp.bfloat16)
        fsrc = fsrc_ref[...].astype(jnp.bfloat16)
        emb0t = emb0t_ref[...].astype(jnp.bfloat16)

        def head(h, acc):
            h1 = jax.nn.sigmoid(
                jnp.dot(embb, wac_ref[h].astype(jnp.bfloat16),
                        preferred_element_type=jnp.float32))
            h2t = jax.nn.sigmoid(
                jnp.dot(wact_ref[h].astype(jnp.bfloat16), emb0t,
                        preferred_element_type=jnp.float32))
            h1hi = h1.astype(jnp.bfloat16)
            h1lo = (h1 - h1hi.astype(jnp.float32)).astype(jnp.bfloat16)
            h2tb = h2t.astype(jnp.bfloat16)
            lg = (jnp.dot(h1hi, h2tb, preferred_element_type=jnp.float32)
                  + jnp.dot(h1lo, h2tb, preferred_element_type=jnp.float32))
            lg = lg - jnp.max(lg, axis=-1, keepdims=True)
            el = jnp.exp(lg)
            sm = el / jnp.sum(el, axis=-1, keepdims=True)
            return acc + jnp.dot(sm.astype(jnp.bfloat16), fsrc,
                                 preferred_element_type=jnp.float32)

        acc = lax.fori_loop(0, _NH, head, jnp.zeros((1000, _D), jnp.float32))
        o_ref[...] = _pack_bf16(tfb_ref[...] + acc * (1.0 / _NH))


def _hgnn_complete(emb, tf_base, emb0t, wac, wact):
    return pl.pallas_call(
        _hgnn_body,
        grid=(10,),
        in_specs=[
            pl.BlockSpec((1000, _D), lambda i: (i, 0)),
            pl.BlockSpec((1000, _D), lambda i: (i, 0)),
            pl.BlockSpec((_D, _T), lambda i: (0, 0)),
            pl.BlockSpec((_NH, _D, 128), lambda i: (0, 0, 0)),
            pl.BlockSpec((_NH, 128, _D), lambda i: (0, 0, 0)),
            pl.BlockSpec((_T, _D), lambda i: (0, 0)),
        ],
        out_specs=pl.BlockSpec((1000, _D // 2), lambda i: (i, 0)),
        out_shape=jax.ShapeDtypeStruct((_N, _D // 2), jnp.int32),
    )(emb, tf_base, emb0t, wac, wact, tf_base)



def _tpad_body(tcol_ref, trow_ref, o_ref):
    i = pl.program_id(0)
    tcol = tcol_ref[...]
    trow = trow_ref[...]
    iota_t = lax.broadcasted_iota(jnp.int32, (512, _S), 1)
    cand = jnp.where(tcol == trow, iota_t, -1)
    last = jnp.max(cand, axis=1, keepdims=True)
    iota_s = lax.broadcasted_iota(jnp.int32, (512, 1), 0) + i * 512
    o_ref[...] = jnp.where(last == iota_s, tcol, -1)


def _make_tpad(tcol, trow):
    return pl.pallas_call(
        _tpad_body,
        grid=(4,),
        in_specs=[
            pl.BlockSpec((512, 1), lambda i: (i, 0)),
            pl.BlockSpec((1, _S), lambda i: (0, 0)),
        ],
        out_specs=pl.BlockSpec((512, 1), lambda i: (i, 0)),
        out_shape=jax.ShapeDtypeStruct((_S, 1), jnp.int32),
    )(tcol, trow)



def _gather_rows(table, idx_flat):
    w = 1024
    nblk = _EPAD // (_NW * w)
    hw = _D // 2
    mesh = plsc.VectorSubcoreMesh(core_axis_name="c", subcore_axis_name="s")

    @functools.partial(
        pl.kernel,
        mesh=mesh,
        compiler_params=pltpu.CompilerParams(use_tc_tiling_on_sc=False),
        out_type=jax.ShapeDtypeStruct((_EPAD, 2 * _D), jnp.int32),
        scratch_types=[
            pltpu.VMEM((3, w), jnp.int32),
            pltpu.VMEM((w, hw), jnp.int32),
            pltpu.VMEM((w, hw), jnp.int32),
            pltpu.VMEM((w, hw), jnp.int32),
            pltpu.SemaphoreType.DMA,
            pltpu.SemaphoreType.DMA,
            pltpu.SemaphoreType.DMA,
            pltpu.SemaphoreType.DMA,
        ],
    )
    def k(table_hbm, idx_hbm, out_hbm, idx_v, b0, b1, b2, g0s, g1s, g2s, ws):
        wid = lax.axis_index("c") * 16 + lax.axis_index("s")
        base = wid * (nblk * w)

        @pl.loop(0, nblk)
        def _(j):
            e0 = base + j * w
            pltpu.sync_copy(idx_hbm.at[pl.ds(e0, w)], idx_v.at[0])
            ga = pltpu.async_copy(table_hbm.at[idx_v.at[0]], b0, g0s)
            pltpu.sync_copy(idx_hbm.at[pl.ds(_EPAD + e0, w)], idx_v.at[1])
            gb = pltpu.async_copy(table_hbm.at[idx_v.at[1]], b1, g1s)
            pltpu.sync_copy(idx_hbm.at[pl.ds(2 * _EPAD + e0, w)], idx_v.at[2])
            gc = pltpu.async_copy(table_hbm.at[idx_v.at[2]], b2, g2s)
            ga.wait()
            w0 = pltpu.async_copy(b0, out_hbm.at[pl.ds(e0, w), pl.ds(0, hw)],
                                  ws)
            gb.wait()
            w1 = pltpu.async_copy(b1, out_hbm.at[pl.ds(e0, w), pl.ds(hw, hw)],
                                  ws)
            gc.wait()
            w2 = pltpu.async_copy(
                b2, out_hbm.at[pl.ds(e0, w), pl.ds(2 * hw, hw)], ws)
            w0.wait()
            w1.wait()
            w2.wait()

    return k(table, idx_flat)



def _seg_body(g_ref, dst_ref, tpad_ref, attn_ref, acc_ref):
    i = pl.program_id(0)
    hw = _D // 2

    @pl.when(i == 0)
    def _init():
        acc_ref[...] = jnp.zeros_like(acc_ref)

    g = g_ref[...]
    lo0, hi0 = _unpack_bf16(g[:, :hw])
    lo1, hi1 = _unpack_bf16(g[:, hw:2 * hw])
    lo2, hi2 = _unpack_bf16(g[:, 2 * hw:3 * hw])
    hidden = (jnp.concatenate([lo0 + lo1 + lo2, hi0 + hi1 + hi2], axis=1)
              * (1.0 / 3.0))
    a = jnp.dot(hidden, attn_ref[...], precision=_HI)
    a = jnp.where(a >= 0, a, 0.2 * a)
    ea = jnp.exp(a)
    rhs = jnp.concatenate(
        [hidden * ea[:, h:h + 1] for h in range(_NH)] + [ea], axis=1
    )
    oh = (tpad_ref[...] == dst_ref[0]).astype(jnp.bfloat16)
    acc_ref[...] += jnp.dot(oh, rhs.astype(jnp.bfloat16),
                            preferred_element_type=jnp.float32)


def _segment_accumulate(gflat, dst3d, tpad, attn_w):
    nsteps = _EPAD // _EB
    return pl.pallas_call(
        _seg_body,
        grid=(nsteps,),
        in_specs=[
            pl.BlockSpec((_EB, 2 * _D), lambda i: (i, 0)),
            pl.BlockSpec((1, 1, _EB), lambda i: (i, 0, 0)),
            pl.BlockSpec((_S, 1), lambda i: (0, 0)),
            pl.BlockSpec((_D, _NH), lambda i: (0, 0)),
        ],
        out_specs=pl.BlockSpec((_S, _NH * _D + _NH), lambda i: (0, 0)),
        out_shape=jax.ShapeDtypeStruct((_S, _NH * _D + _NH), jnp.float32),
    )(gflat, dst3d, tpad, attn_w)



def _slotgather_body(acc_ref, tpadrow_ref, tcol_ref, o_ref):
    acc = acc_ref[...]
    div = jnp.concatenate(
        [acc[:, h * _D:(h + 1) * _D]
         / (acc[:, _NH * _D + h:_NH * _D + h + 1] + 1e-9)
         for h in range(_NH)], axis=1)
    m = (tcol_ref[...] == tpadrow_ref[...]).astype(jnp.float32)
    ret = jnp.dot(m, div, precision=_HI)[:_T]
    o_ref[...] = jnp.where(ret > 0, ret,
                           jnp.exp(jnp.minimum(ret, 0.0)) - 1.0)


def _slotgather(acc, tpadrow, tcol3):
    w = _NH * _D + _NH
    full = lambda shape: pl.BlockSpec(shape, lambda: tuple(0 for _ in shape))
    return pl.pallas_call(
        _slotgather_body,
        in_specs=[full((_S, w)), full((1, _S)), full((_S, 1))],
        out_specs=full((_T, _NH * _D)),
        out_shape=jax.ShapeDtypeStruct((_T, _NH * _D), jnp.float32),
    )(acc, tpadrow, tcol3)


def _fin_body(o0_ref, o1_ref, fc1w_ref, fc1b_ref,
              fc2w_ref, fc2b_ref, fcw_ref, fcb_ref, logits_ref, h_ref):
    outs = [o0_ref[...], o1_ref[...]]
    scores = []
    for o in outs:
        t = jnp.tanh(jnp.dot(o, fc1w_ref[...], precision=_HI) + fc1b_ref[...])
        sc = jnp.dot(t, fc2w_ref[...], precision=_HI) + fc2b_ref[...]
        scores.append(jnp.mean(sc))
    mx = jnp.maximum(scores[0], scores[1])
    e0 = jnp.exp(scores[0] - mx)
    e1 = jnp.exp(scores[1] - mx)
    b0 = e0 / (e0 + e1)
    b1 = e1 / (e0 + e1)
    h = b0 * outs[0] + b1 * outs[1]
    h_ref[...] = h
    logits_ref[...] = jnp.dot(h, fcw_ref[...], precision=_HI) + fcb_ref[...]


def _finalize(out0, out1, fc1_w, fc1_b, fc2_w, fc2_b, fc_w, fc_b):
    full = lambda shape: pl.BlockSpec(shape, lambda: tuple(0 for _ in shape))
    return pl.pallas_call(
        _fin_body,
        in_specs=[
            full((_T, _NH * _D)), full((_T, _NH * _D)),
            full((_NH * _D, 128)), full((1, 128)), full((128, 1)),
            full((1, 1)), full((_NH * _D, 3)), full((1, 3)),
        ],
        out_specs=[full((_T, 3)), full((_T, _NH * _D))],
        out_shape=[
            jax.ShapeDtypeStruct((_T, 3), jnp.float32),
            jax.ShapeDtypeStruct((_T, _NH * _D), jnp.float32),
        ],
    )(out0, out1, fc1_w, fc1_b, fc2_w, fc2_b, fc_w, fc_b)



def _prep_layer_idx(mp_idx):
    idxt = jnp.transpose(mp_idx)
    idxt = jnp.pad(idxt, ((0, 0), (0, _EPAD - _E)))
    return idxt.reshape(-1)


def _prep_dst(mp_idx):
    dst = jnp.pad(mp_idx[:, 2], (0, _EPAD - _E), constant_values=-2)
    return dst.reshape(_EPAD // _EB, 1, _EB)


def kernel(feat0, feat1, feat2, emb, W0, b0, W1, b1, W2, b2, W_ac,
           attn0, attn1, fc1_W, fc1_b, fc2_W, fc2_b, fc_W, fc_b,
           type_mask, mask0, mask1, mask2, mp_idx0, mp_idx1, target_idx):
    featcat = jnp.concatenate([feat0, feat1, feat2], axis=0)
    wstack = jnp.stack([W0, W1, W2])
    bstack = jnp.stack([b0, b1, b2]).reshape(3, 1, _D)
    tf_base = _type_transform(featcat, wstack, bstack)

    emb0t = jnp.transpose(emb[:_T])
    wact = jnp.transpose(W_ac, (0, 2, 1))
    tf_fin = _hgnn_complete(emb, tf_base, emb0t, W_ac, wact)

    tcol = jnp.pad(target_idx, (0, _S - _T),
                   constant_values=-1).reshape(_S, 1)
    trow = jnp.pad(target_idx, (0, _S - _T),
                   constant_values=-2).reshape(1, _S)
    tpad = _make_tpad(tcol, trow)

    g0 = _gather_rows(tf_fin, _prep_layer_idx(mp_idx0))
    g1 = _gather_rows(tf_fin, _prep_layer_idx(mp_idx1))

    acc0 = _segment_accumulate(g0, _prep_dst(mp_idx0), tpad,
                               jnp.transpose(attn0))
    acc1 = _segment_accumulate(g1, _prep_dst(mp_idx1), tpad,
                               jnp.transpose(attn1))

    tcol3 = jnp.pad(target_idx, (0, _S - _T),
                    constant_values=-3).reshape(_S, 1)
    tpadrow = tpad.reshape(1, _S)
    out0 = _slotgather(acc0, tpadrow, tcol3)
    out1 = _slotgather(acc1, tpadrow, tcol3)
    logits, h = _finalize(
        out0, out1,
        fc1_W, fc1_b.reshape(1, 128), fc2_W, fc2_b.reshape(1, 1),
        fc_W, fc_b.reshape(1, 3))
    return (logits, h)

# --- scband reference (transcript-rebuilt; emitter-appended) ---
"""Pipeline reference for scband-magnn-nc-mb-22187801051275 (READ-ONLY COPY).

The authoritative reference and input builder live on the scoring server;
editing this copy changes nothing except your own understanding.
"""

import jax, jax.numpy as jnp
import numpy as np

N = 10000
NH = 8
D = 64

def _segment_softmax(a, seg, num_segments):
    a_max = jax.ops.segment_max(a, seg, num_segments=num_segments)
    ea = jnp.exp(a - a_max[seg])
    denom = jax.ops.segment_sum(ea, seg, num_segments=num_segments)
    return ea / (denom[seg] + 1e-9)

def _metapath_layer(features, mp_idx, target_idx, attn_vec):
    edata = features[mp_idx]                      # [E, L, D] gather
    hidden = edata.mean(axis=1)                   # rnn_type='average' metapath instance encoder
    dst = mp_idx[:, -1]                           # metapath instance target node
    a = jax.nn.leaky_relu(hidden @ attn_vec.T, negative_slope=0.2)   # [E, NH]
    w = _segment_softmax(a, dst, N)               # edge softmax per dst node
    fts = [jax.ops.segment_sum(hidden * w[:, h:h + 1], dst, num_segments=N) for h in range(NH)]
    ft = jnp.stack(fts, axis=1)                   # [N, NH, D]
    ret = ft[target_idx].reshape((-1, NH * D))
    return jax.nn.elu(ret)

def _hgnn_ac(emb_dest, emb_src, feature_src, W_ac):
    acc = 0.0
    for h in range(NH):
        h1 = jax.nn.sigmoid(emb_dest @ W_ac[h])
        h2 = jax.nn.sigmoid(emb_src @ W_ac[h])
        attn = jax.nn.softmax(h1 @ h2.T, axis=-1)
        acc = acc + attn @ feature_src
    return acc / NH

def setup_inputs(seed: int = 0):
    key = jax.random.key(seed)
    ks = jax.random.split(key, 20)
    s = 0.1
    feat0 = jax.random.normal(ks[0], (2000, 128), dtype=jnp.float32)
    feat1 = jax.random.normal(ks[1], (4000, 128), dtype=jnp.float32)
    feat2 = jax.random.normal(ks[2], (4000, 128), dtype=jnp.float32)
    emb = jax.random.normal(ks[3], (N, 64), dtype=jnp.float32)
    mp_idx0 = jax.random.randint(ks[4], (160000, 3), 0, N, dtype=jnp.int32)
    mp_idx1 = jax.random.randint(ks[5], (160000, 3), 0, N, dtype=jnp.int32)
    target_idx = jax.random.randint(ks[6], (2000,), 0, N, dtype=jnp.int32)
    mask0 = jnp.arange(0, 2000, dtype=jnp.int32)
    mask1 = jnp.arange(2000, 6000, dtype=jnp.int32)
    mask2 = jnp.arange(6000, 10000, dtype=jnp.int32)
    type_mask = jnp.concatenate([jnp.zeros((2000,), jnp.int32), jnp.ones((4000,), jnp.int32), jnp.full((4000,), 2, jnp.int32)])
    W0 = jax.random.normal(ks[7], (128, D), dtype=jnp.float32) * s
    b0 = jnp.zeros((D,), jnp.float32)
    W1 = jax.random.normal(ks[8], (128, D), dtype=jnp.float32) * s
    b1 = jnp.zeros((D,), jnp.float32)
    W2 = jax.random.normal(ks[9], (128, D), dtype=jnp.float32) * s
    b2 = jnp.zeros((D,), jnp.float32)
    W_ac = jax.random.normal(ks[10], (NH, 64, 128), dtype=jnp.float32) * s
    attn0 = jax.random.normal(ks[11], (NH, D), dtype=jnp.float32) * s
    attn1 = jax.random.normal(ks[12], (NH, D), dtype=jnp.float32) * s
    fc1_W = jax.random.normal(ks[13], (NH * D, 128), dtype=jnp.float32) * s
    fc1_b = jnp.zeros((128,), jnp.float32)
    fc2_W = jax.random.normal(ks[14], (128, 1), dtype=jnp.float32) * s
    fc2_b = jnp.zeros((1,), jnp.float32)
    fc_W = jax.random.normal(ks[15], (NH * D, 3), dtype=jnp.float32) * s
    fc_b = jnp.zeros((3,), jnp.float32)
    return {"feat0": feat0, "feat1": feat1, "feat2": feat2, "emb": emb,
            "W0": W0, "b0": b0, "W1": W1, "b1": b1, "W2": W2, "b2": b2,
            "W_ac": W_ac, "attn0": attn0, "attn1": attn1,
            "fc1_W": fc1_W, "fc1_b": fc1_b, "fc2_W": fc2_W, "fc2_b": fc2_b,
            "fc_W": fc_W, "fc_b": fc_b,
            "type_mask": type_mask, "mask0": mask0, "mask1": mask1, "mask2": mask2,
            "mp_idx0": mp_idx0, "mp_idx1": mp_idx1, "target_idx": target_idx}

def reference(feat0, feat1, feat2, emb, W0, b0, W1, b1, W2, b2, W_ac, attn0, attn1,
              fc1_W, fc1_b, fc2_W, fc2_b, fc_W, fc_b,
              type_mask, mask0, mask1, mask2, mp_idx0, mp_idx1, target_idx):
    # type-specific feature transforms scattered into a global node-feature table
    tf = jnp.zeros((N, D), jnp.float32)
    tf = tf.at[mask0].set(feat0 @ W0 + b0)
    tf = tf.at[mask1].set(feat1 @ W1 + b1)
    tf = tf.at[mask2].set(feat2 @ W2 + b2)
    # HGNN_AC attribute completion from source node type (IMDB/ACM branch)
    feature_src_re = _hgnn_ac(emb, emb[mask0], tf[mask0], W_ac)
    tf = tf.at[mask1].add(feature_src_re[mask1])
    tf = tf.at[mask2].add(feature_src_re[mask2])
    # dropout disabled (eval mode)
    out0 = _metapath_layer(tf, mp_idx0, target_idx, attn0)
    out1 = _metapath_layer(tf, mp_idx1, target_idx, attn1)
    def sem_score(o):
        return jnp.mean(jnp.tanh(o @ fc1_W + fc1_b) @ fc2_W + fc2_b)
    beta = jax.nn.softmax(jnp.stack([sem_score(out0), sem_score(out1)]))
    h = beta[0] * out0 + beta[1] * out1
    logits = h @ fc_W + fc_b
    return (logits, h)

if __name__ == "__main__":
    import jax
    _d = setup_inputs()
    print(jax.jit(kernel)(*tuple(_d.values())))

</pallas_src>

<mosaic_0001>
#map = affine_map<(d0, d1) -> (0, 0)>
#map1 = affine_map<(d0, d1) -> (0)>
module attributes {stable_mosaic.version = 14 : i64} {
  func.func @k(%arg0: i32, %arg1: i32, %arg2: memref<10000x32xi32, #tpu.memory_space<hbm>>, %arg3: memref<491520xi32, #tpu.memory_space<hbm>>, %arg4: memref<163840x128xi32, #tpu.memory_space<hbm>>, %arg5: memref<3x1024xi32, #tpu.memory_space<vmem>>, %arg6: memref<1024x32xi32, #tpu.memory_space<vmem>>, %arg7: memref<1024x32xi32, #tpu.memory_space<vmem>>, %arg8: memref<1024x32xi32, #tpu.memory_space<vmem>>, %arg9: memref<!tpu.dma_semaphore, #tpu.memory_space<semaphore_mem>>, %arg10: memref<!tpu.dma_semaphore, #tpu.memory_space<semaphore_mem>>, %arg11: memref<!tpu.dma_semaphore, #tpu.memory_space<semaphore_mem>>, %arg12: memref<!tpu.dma_semaphore, #tpu.memory_space<semaphore_mem>>) attributes {dimension_semantics = [#tpu.dimension_semantics<core_parallel>, #tpu.dimension_semantics<subcore_parallel>], iteration_bounds = array<i64: 2, 16>, scalar_prefetch = 0 : i64, scratch_operands = 8 : i64, tpu.core_type = #tpu.core_type<sc_vector_subcore>, window_params = [{transform_indices = #map}, {transform_indices = #map1}, {transform_indices = #map}]} {
    %mul3A = arith.constant 16 : i32
    %mul3A_0 = arith.muli %arg0, %mul3A : i32
    %add3A = arith.addi %mul3A_0, %arg1 : i32
    %mul3A_1 = arith.constant 5120 : i32
    %mul3A_2 = arith.muli %add3A, %mul3A_1 : i32
    %scan3A = arith.constant 0 : i32
    %scan3A_3 = arith.constant 5 : i32
    %scan3A_4 = arith.addi %scan3A, %scan3A_3 : i32
    %scan3A_5 = arith.constant 1 : i32
    scf.for %scan3A_7 = %scan3A to %scan3A_4 step %scan3A_5  : i32 {
      %mul3A_8 = arith.constant 1 : i32
      %mul3A_9 = arith.muli %scan3A_7, %mul3A_8 : i32
      %add3A_10 = arith.constant 0 : i32
      %add3A_11 = arith.addi %add3A_10, %mul3A_9 : i32
      %mul3A_12 = arith.constant 1024 : i32
      %mul3A_13 = arith.muli %add3A_11, %mul3A_12 : i32
      %add3A_14 = arith.addi %mul3A_2, %mul3A_13 : i32
      %run_scoped3A = arith.constant 0 : i32
      "tpu.region"() ({
        %run_scoped3A_85 = tpu.sem_alloc : memref<!tpu.dma_semaphore, #tpu.memory_space<semaphore_mem>>
        %dma_start3A_86 = arith.constant 0 : i32
        %dma_start3A_87 = tpu.memref_slice %arg5[%run_scoped3A, %dma_start3A_86] : memref<3x1024xi32, #tpu.memory_space<vmem>> -> memref<1x1024xi32, #tpu.memory_space<vmem>>
        %dma_start3A_88 = tpu.memref_squeeze %dma_start3A_87 : memref<1x1024xi32, #tpu.memory_space<vmem>> -> memref<1024xi32, #tpu.memory_space<vmem>>
        %dma_start3A_89 = tpu.memref_slice %arg3[%add3A_14] : memref<491520xi32, #tpu.memory_space<hbm>> -> memref<1024xi32, #tpu.memory_space<hbm>>
        %dma_start3A_90 = arith.constant 0 : i32
        %dma_start3A_91 = tpu.memref_slice %arg5[%run_scoped3A, %dma_start3A_90] : memref<3x1024xi32, #tpu.memory_space<vmem>> -> memref<1x1024xi32, #tpu.memory_space<vmem>>
        %dma_start3A_92 = tpu.memref_squeeze %dma_start3A_91 : memref<1x1024xi32, #tpu.memory_space<vmem>> -> memref<1024xi32, #tpu.memory_space<vmem>>
        %dma_start3A_93 = tpu.memref_slice %arg3[%add3A_14] : memref<491520xi32, #tpu.memory_space<hbm>> -> memref<1024xi32, #tpu.memory_space<hbm>>
        tpu.enqueue_dma source(%dma_start3A_93 : memref<1024xi32, #tpu.memory_space<hbm>>) target(%dma_start3A_92 : memref<1024xi32, #tpu.memory_space<vmem>>) target_semaphore(%run_scoped3A_85 : memref<!tpu.dma_semaphore, #tpu.memory_space<semaphore_mem>>)
        %dma_wait3A_94 = arith.constant 0 : i32
        %dma_wait3A_95 = tpu.memref_slice %arg5[%run_scoped3A, %dma_wait3A_94] : memref<3x1024xi32, #tpu.memory_space<vmem>> -> memref<1x1024xi32, #tpu.memory_space<vmem>>
        %dma_wait3A_96 = tpu.memref_squeeze %dma_wait3A_95 : memref<1x1024xi32, #tpu.memory_space<vmem>> -> memref<1024xi32, #tpu.memory_space<vmem>>
        %dma_wait3A_97 = tpu.memref_slice %arg3[%add3A_14] : memref<491520xi32, #tpu.memory_space<hbm>> -> memref<1024xi32, #tpu.memory_space<hbm>>
        %dma_wait3A_98 = arith.constant 0 : i32
        %dma_wait3A_99 = tpu.memref_slice %arg5[%run_scoped3A, %dma_wait3A_98] : memref<3x1024xi32, #tpu.memory_space<vmem>> -> memref<1x1024xi32, #tpu.memory_space<vmem>>
        %dma_wait3A_100 = tpu.memref_squeeze %dma_wait3A_99 : memref<1x1024xi32, #tpu.memory_space<vmem>> -> memref<1024xi32, #tpu.memory_space<vmem>>
        %dma_wait3A_101 = tpu.memref_slice %arg3[%add3A_14] : memref<491520xi32, #tpu.memory_space<hbm>> -> memref<1024xi32, #tpu.memory_space<hbm>>
        tpu.wait_dma2 semaphore(%run_scoped3A_85 : memref<!tpu.dma_semaphore, #tpu.memory_space<semaphore_mem>>) src(%dma_wait3A_101 : memref<1024xi32, #tpu.memory_space<hbm>>) dst(%dma_wait3A_100 : memref<1024xi32, #tpu.memory_space<vmem>>)
        tpu.yield
      }) : () -> ()
      %dma_start3A = arith.constant 0 : i32
      %dma_start3A_15 = arith.constant 0 : i32
      %dma_start3A_16 = tpu.memref_slice %arg5[%dma_start3A, %dma_start3A_15] : memref<3x1024xi32, #tpu.memory_space<vmem>> -> memref<1x1024xi32, #tpu.memory_space<vmem>>
      %dma_start3A_17 = tpu.memref_squeeze %dma_start3A_16 : memref<1x1024xi32, #tpu.memory_space<vmem>> -> memref<1024xi32, #tpu.memory_space<vmem>>
      %dma_start3A_18 = arith.constant 0 : i32
      %dma_start3A_19 = arith.constant 0 : i32
      %dma_start3A_20 = tpu.memref_slice %arg2[%dma_start3A_18, %dma_start3A_19] : memref<10000x32xi32, #tpu.memory_space<hbm>> -> memref<10000x32xi32, #tpu.memory_space<hbm>>
      tpu.enqueue_indirect_dma source(%dma_start3A_20 : memref<10000x32xi32, #tpu.memory_space<hbm>>) target(%arg6 : memref<1024x32xi32, #tpu.memory_space<vmem>>) offsets(%dma_start3A_17 : memref<1024xi32, #tpu.memory_space<vmem>>) semaphore(%arg9 : memref<!tpu.dma_semaphore, #tpu.memory_space<semaphore_mem>>)
      %add3A_21 = arith.constant 163840 : i32
      %add3A_22 = arith.addi %add3A_21, %add3A_14 : i32
      %run_scoped3A_23 = arith.constant 1 : i32
      "tpu.region"() ({
        %run_scoped3A_85 = tpu.sem_alloc : memref<!tpu.dma_semaphore, #tpu.memory_space<semaphore_mem>>
        %dma_start3A_86 = arith.constant 0 : i32
        %dma_start3A_87 = tpu.memref_slice %arg5[%run_scoped3A_23, %dma_start3A_86] : memref<3x1024xi32, #tpu.memory_space<vmem>> -> memref<1x1024xi32, #tpu.memory_space<vmem>>
        %dma_start3A_88 = tpu.memref_squeeze %dma_start3A_87 : memref<1x1024xi32, #tpu.memory_space<vmem>> -> memref<1024xi32, #tpu.memory_space<vmem>>
        %dma_start3A_89 = tpu.memref_slice %arg3[%add3A_22] : memref<491520xi32, #tpu.memory_space<hbm>> -> memref<1024xi32, #tpu.memory_space<hbm>>
        %dma_start3A_90 = arith.constant 0 : i32
        %dma_start3A_91 = tpu.memref_slice %arg5[%run_scoped3A_23, %dma_start3A_90] : memref<3x1024xi32, #tpu.memory_space<vmem>> -> memref<1x1024xi32, #tpu.memory_space<vmem>>
        %dma_start3A_92 = tpu.memref_squeeze %dma_start3A_91 : memref<1x1024xi32, #tpu.memory_space<vmem>> -> memref<1024xi32, #tpu.memory_space<vmem>>
        %dma_start3A_93 = tpu.memref_slice %arg3[%add3A_22] : memref<491520xi32, #tpu.memory_space<hbm>> -> memref<1024xi32, #tpu.memory_space<hbm>>
        tpu.enqueue_dma source(%dma_start3A_93 : memref<1024xi32, #tpu.memory_space<hbm>>) target(%dma_start3A_92 : memref<1024xi32, #tpu.memory_space<vmem>>) target_semaphore(%run_scoped3A_85 : memref<!tpu.dma_semaphore, #tpu.memory_space<semaphore_mem>>)
        %dma_wait3A_94 = arith.constant 0 : i32
        %dma_wait3A_95 = tpu.memref_slice %arg5[%run_scoped3A_23, %dma_wait3A_94] : memref<3x1024xi32, #tpu.memory_space<vmem>> -> memref<1x1024xi32, #tpu.memory_space<vmem>>
        %dma_wait3A_96 = tpu.memref_squeeze %dma_wait3A_95 : memref<1x1024xi32, #tpu.memory_space<vmem>> -> memref<1024xi32, #tpu.memory_space<vmem>>
        %dma_wait3A_97 = tpu.memref_slice %arg3[%add3A_22] : memref<491520xi32, #tpu.memory_space<hbm>> -> memref<1024xi32, #tpu.memory_space<hbm>>
        %dma_wait3A_98 = arith.constant 0 : i32
        %dma_wait3A_99 = tpu.memref_slice %arg5[%run_scoped3A_23, %dma_wait3A_98] : memref<3x1024xi32, #tpu.memory_space<vmem>> -> memref<1x1024xi32, #tpu.memory_space<vmem>>
        %dma_wait3A_100 = tpu.memref_squeeze %dma_wait3A_99 : memref<1x1024xi32, #tpu.memory_space<vmem>> -> memref<1024xi32, #tpu.memory_space<vmem>>
        %dma_wait3A_101 = tpu.memref_slice %arg3[%add3A_22] : memref<491520xi32, #tpu.memory_space<hbm>> -> memref<1024xi32, #tpu.memory_space<hbm>>
        tpu.wait_dma2 semaphore(%run_scoped3A_85 : memref<!tpu.dma_semaphore, #tpu.memory_space<semaphore_mem>>) src(%dma_wait3A_101 : memref<1024xi32, #tpu.memory_space<hbm>>) dst(%dma_wait3A_100 : memref<1024xi32, #tpu.memory_space<vmem>>)
        tpu.yield
      }) : () -> ()
      %dma_start3A_24 = arith.constant 1 : i32
      %dma_start3A_25 = arith.constant 0 : i32
      %dma_start3A_26 = tpu.memref_slice %arg5[%dma_start3A_24, %dma_start3A_25] : memref<3x1024xi32, #tpu.memory_space<vmem>> -> memref<1x1024xi32, #tpu.memory_space<vmem>>
      %dma_start3A_27 = tpu.memref_squeeze %dma_start3A_26 : memref<1x1024xi32, #tpu.memory_space<vmem>> -> memref<1024xi32, #tpu.memory_space<vmem>>
      %dma_start3A_28 = arith.constant 0 : i32
      %dma_start3A_29 = arith.constant 0 : i32
      %dma_start3A_30 = tpu.memref_slice %arg2[%dma_start3A_28, %dma_start3A_29] : memref<10000x32xi32, #tpu.memory_space<hbm>> -> memref<10000x32xi32, #tpu.memory_space<hbm>>
      tpu.enqueue_indirect_dma source(%dma_start3A_30 : memref<10000x32xi32, #tpu.memory_space<hbm>>) target(%arg7 : memref<1024x32xi32, #tpu.memory_space<vmem>>) offsets(%dma_start3A_27 : memref<1024xi32, #tpu.memory_space<vmem>>) semaphore(%arg10 : memref<!tpu.dma_semaphore, #tpu.memory_space<semaphore_mem>>)
      %add3A_31 = arith.constant 327680 : i32
      %add3A_32 = arith.addi %add3A_31, %add3A_14 : i32
      %run_scoped3A_33 = arith.constant 2 : i32
      "tpu.region"() ({
        %run_scoped3A_85 = tpu.sem_alloc : memref<!tpu.dma_semaphore, #tpu.memory_space<semaphore_mem>>
        %dma_start3A_86 = arith.constant 0 : i32
        %dma_start3A_87 = tpu.memref_slice %arg5[%run_scoped3A_33, %dma_start3A_86] : memref<3x1024xi32, #tpu.memory_space<vmem>> -> memref<1x1024xi32, #tpu.memory_space<vmem>>
        %dma_start3A_88 = tpu.memref_squeeze %dma_start3A_87 : memref<1x1024xi32, #tpu.memory_space<vmem>> -> memref<1024xi32, #tpu.memory_space<vmem>>
        %dma_start3A_89 = tpu.memref_slice %arg3[%add3A_32] : memref<491520xi32, #tpu.memory_space<hbm>> -> memref<1024xi32, #tpu.memory_space<hbm>>
        %dma_start3A_90 = arith.constant 0 : i32
        %dma_start3A_91 = tpu.memref_slice %arg5[%run_scoped3A_33, %dma_start3A_90] : memref<3x1024xi32, #tpu.memory_space<vmem>> -> memref<1x1024xi32, #tpu.memory_space<vmem>>
        %dma_start3A_92 = tpu.memref_squeeze %dma_start3A_91 : memref<1x1024xi32, #tpu.memory_space<vmem>> -> memref<1024xi32, #tpu.memory_space<vmem>>
        %dma_start3A_93 = tpu.memref_slice %arg3[%add3A_32] : memref<491520xi32, #tpu.memory_space<hbm>> -> memref<1024xi32, #tpu.memory_space<hbm>>
        tpu.enqueue_dma source(%dma_start3A_93 : memref<1024xi32, #tpu.memory_space<hbm>>) target(%dma_start3A_92 : memref<1024xi32, #tpu.memory_space<vmem>>) target_semaphore(%run_scoped3A_85 : memref<!tpu.dma_semaphore, #tpu.memory_space<semaphore_mem>>)
        %dma_wait3A_94 = arith.constant 0 : i32
        %dma_wait3A_95 = tpu.memref_slice %arg5[%run_scoped3A_33, %dma_wait3A_94] : memref<3x1024xi32, #tpu.memory_space<vmem>> -> memref<1x1024xi32, #tpu.memory_space<vmem>>
        %dma_wait3A_96 = tpu.memref_squeeze %dma_wait3A_95 : memref<1x1024xi32, #tpu.memory_space<vmem>> -> memref<1024xi32, #tpu.memory_space<vmem>>
        %dma_wait3A_97 = tpu.memref_slice %arg3[%add3A_32] : memref<491520xi32, #tpu.memory_space<hbm>> -> memref<1024xi32, #tpu.memory_space<hbm>>
        %dma_wait3A_98 = arith.constant 0 : i32
        %dma_wait3A_99 = tpu.memref_slice %arg5[%run_scoped3A_33, %dma_wait3A_98] : memref<3x1024xi32, #tpu.memory_space<vmem>> -> memref<1x1024xi32, #tpu.memory_space<vmem>>
        %dma_wait3A_100 = tpu.memref_squeeze %dma_wait3A_99 : memref<1x1024xi32, #tpu.memory_space<vmem>> -> memref<1024xi32, #tpu.memory_space<vmem>>
        %dma_wait3A_101 = tpu.memref_slice %arg3[%add3A_32] : memref<491520xi32, #tpu.memory_space<hbm>> -> memref<1024xi32, #tpu.memory_space<hbm>>
        tpu.wait_dma2 semaphore(%run_scoped3A_85 : memref<!tpu.dma_semaphore, #tpu.memory_space<semaphore_mem>>) src(%dma_wait3A_101 : memref<1024xi32, #tpu.memory_space<hbm>>) dst(%dma_wait3A_100 : memref<1024xi32, #tpu.memory_space<vmem>>)
        tpu.yield
      }) : () -> ()
      %dma_start3A_34 = arith.constant 2 : i32
      %dma_start3A_35 = arith.constant 0 : i32
      %dma_start3A_36 = tpu.memref_slice %arg5[%dma_start3A_34, %dma_start3A_35] : memref<3x1024xi32, #tpu.memory_space<vmem>> -> memref<1x1024xi32, #tpu.memory_space<vmem>>
      %dma_start3A_37 = tpu.memref_squeeze %dma_start3A_36 : memref<1x1024xi32, #tpu.memory_space<vmem>> -> memref<1024xi32, #tpu.memory_space<vmem>>
      %dma_start3A_38 = arith.constant 0 : i32
      %dma_start3A_39 = arith.constant 0 : i32
      %dma_start3A_40 = tpu.memref_slice %arg2[%dma_start3A_38, %dma_start3A_39] : memref<10000x32xi32, #tpu.memory_space<hbm>> -> memref<10000x32xi32, #tpu.memory_space<hbm>>
      tpu.enqueue_indirect_dma source(%dma_start3A_40 : memref<10000x32xi32, #tpu.memory_space<hbm>>) target(%arg8 : memref<1024x32xi32, #tpu.memory_space<vmem>>) offsets(%dma_start3A_37 : memref<1024xi32, #tpu.memory_space<vmem>>) semaphore(%arg11 : memref<!tpu.dma_semaphore, #tpu.memory_space<semaphore_mem>>)
      %dma_wait3A = arith.constant 0 : i32
      %dma_wait3A_41 = arith.constant 0 : i32
      %dma_wait3A_42 = tpu.memref_slice %arg5[%dma_wait3A, %dma_wait3A_41] : memref<3x1024xi32, #tpu.memory_space<vmem>> -> memref<1x1024xi32, #tpu.memory_space<vmem>>
      %dma_wait3A_43 = tpu.memref_squeeze %dma_wait3A_42 : memref<1x1024xi32, #tpu.memory_space<vmem>> -> memref<1024xi32, #tpu.memory_space<vmem>>
      %dma_wait3A_44 = arith.constant 0 : i32
      %dma_wait3A_45 = arith.constant 0 : i32
      %dma_wait3A_46 = tpu.memref_slice %arg2[%dma_wait3A_44, %dma_wait3A_45] : memref<10000x32xi32, #tpu.memory_space<hbm>> -> memref<10000x32xi32, #tpu.memory_space<hbm>>
      tpu.wait_indirect_dma semaphore(%arg9 : memref<!tpu.dma_semaphore, #tpu.memory_space<semaphore_mem>>) src(%dma_wait3A_46 : memref<10000x32xi32, #tpu.memory_space<hbm>>) dst(%arg6 : memref<1024x32xi32, #tpu.memory_space<vmem>>)
      %dma_start3A_47 = arith.constant 0 : i32
      %dma_start3A_48 = tpu.memref_slice %arg4[%add3A_14, %dma_start3A_47] : memref<163840x128xi32, #tpu.memory_space<hbm>> -> memref<1024x32xi32, #tpu.memory_space<hbm>>
      %dma_start3A_49 = arith.constant 0 : i32
      %dma_start3A_50 = tpu.memref_slice %arg4[%add3A_14, %dma_start3A_49] : memref<163840x128xi32, #tpu.memory_space<hbm>> -> memref<1024x32xi32, #tpu.memory_space<hbm>>
      tpu.enqueue_dma source(%arg6 : memref<1024x32xi32, #tpu.memory_space<vmem>>) target(%dma_start3A_50 : memref<1024x32xi32, #tpu.memory_space<hbm>>) target_semaphore(%arg12 : memref<!tpu.dma_semaphore, #tpu.memory_space<semaphore_mem>>)
      %dma_wait3A_51 = arith.constant 1 : i32
      %dma_wait3A_52 = arith.constant 0 : i32
      %dma_wait3A_53 = tpu.memref_slice %arg5[%dma_wait3A_51, %dma_wait3A_52] : memref<3x1024xi32, #tpu.memory_space<vmem>> -> memref<1x1024xi32, #tpu.memory_space<vmem>>
      %dma_wait3A_54 = tpu.memref_squeeze %dma_wait3A_53 : memref<1x1024xi32, #tpu.memory_space<vmem>> -> memref<1024xi32, #tpu.memory_space<vmem>>
      %dma_wait3A_55 = arith.constant 0 : i32
      %dma_wait3A_56 = arith.constant 0 : i32
      %dma_wait3A_57 = tpu.memref_slice %arg2[%dma_wait3A_55, %dma_wait3A_56] : memref<10000x32xi32, #tpu.memory_space<hbm>> -> memref<10000x32xi32, #tpu.memory_space<hbm>>
      tpu.wait_indirect_dma semaphore(%arg10 : memref<!tpu.dma_semaphore, #tpu.memory_space<semaphore_mem>>) src(%dma_wait3A_57 : memref<10000x32xi32, #tpu.memory_space<hbm>>) dst(%arg7 : memref<1024x32xi32, #tpu.memory_space<vmem>>)
      %dma_start3A_58 = arith.constant 32 : i32
      %dma_start3A_59 = tpu.memref_slice %arg4[%add3A_14, %dma_start3A_58] : memref<163840x128xi32, #tpu.memory_space<hbm>> -> memref<1024x32xi32, #tpu.memory_space<hbm>>
      %dma_start3A_60 = arith.constant 32 : i32
      %dma_start3A_61 = tpu.memref_slice %arg4[%add3A_14, %dma_start3A_60] : memref<163840x128xi32, #tpu.memory_space<hbm>> -> memref<1024x32xi32, #tpu.memory_space<hbm>>
      tpu.enqueue_dma source(%arg7 : memref<1024x32xi32, #tpu.memory_space<vmem>>) target(%dma_start3A_61 : memref<1024x32xi32, #tpu.memory_space<hbm>>) target_semaphore(%arg12 : memref<!tpu.dma_semaphore, #tpu.memory_space<semaphore_mem>>)
      %dma_wait3A_62 = arith.constant 2 : i32
      %dma_wait3A_63 = arith.constant 0 : i32
      %dma_wait3A_64 = tpu.memref_slice %arg5[%dma_wait3A_62, %dma_wait3A_63] : memref<3x1024xi32, #tpu.memory_space<vmem>> -> memref<1x1024xi32, #tpu.memory_space<vmem>>
      %dma_wait3A_65 = tpu.memref_squeeze %dma_wait3A_64 : memref<1x1024xi32, #tpu.memory_space<vmem>> -> memref<1024xi32, #tpu.memory_space<vmem>>
      %dma_wait3A_66 = arith.constant 0 : i32
      %dma_wait3A_67 = arith.constant 0 : i32
      %dma_wait3A_68 = tpu.memref_slice %arg2[%dma_wait3A_66, %dma_wait3A_67] : memref<10000x32xi32, #tpu.memory_space<hbm>> -> memref<10000x32xi32, #tpu.memory_space<hbm>>
      tpu.wait_indirect_dma semaphore(%arg11 : memref<!tpu.dma_semaphore, #tpu.memory_space<semaphore_mem>>) src(%dma_wait3A_68 : memref<10000x32xi32, #tpu.memory_space<hbm>>) dst(%arg8 : memref<1024x32xi32, #tpu.memory_space<vmem>>)
      %dma_start3A_69 = arith.constant 64 : i32
      %dma_start3A_70 = tpu.memref_slice %arg4[%add3A_14, %dma_start3A_69] : memref<163840x128xi32, #tpu.memory_space<hbm>> -> memref<1024x32xi32, #tpu.memory_space<hbm>>
      %dma_start3A_71 = arith.constant 64 : i32
      %dma_start3A_72 = tpu.memref_slice %arg4[%add3A_14, %dma_start3A_71] : memref<163840x128xi32, #tpu.memory_space<hbm>> -> memref<1024x32xi32, #tpu.memory_space<hbm>>
      tpu.enqueue_dma source(%arg8 : memref<1024x32xi32, #tpu.memory_space<vmem>>) target(%dma_start3A_72 : memref<1024x32xi32, #tpu.memory_space<hbm>>) target_semaphore(%arg12 : memref<!tpu.dma_semaphore, #tpu.memory_space<semaphore_mem>>)
      %dma_wait3A_73 = arith.constant 0 : i32
      %dma_wait3A_74 = tpu.memref_slice %arg4[%add3A_14, %dma_wait3A_73] : memref<163840x128xi32, #tpu.memory_space<hbm>> -> memref<1024x32xi32, #tpu.memory_space<hbm>>
      %dma_wait3A_75 = arith.constant 0 : i32
      %dma_wait3A_76 = tpu.memref_slice %arg4[%add3A_14, %dma_wait3A_75] : memref<163840x128xi32, #tpu.memory_space<hbm>> -> memref<1024x32xi32, #tpu.memory_space<hbm>>
      tpu.wait_dma2 semaphore(%arg12 : memref<!tpu.dma_semaphore, #tpu.memory_space<semaphore_mem>>) src(%arg6 : memref<1024x32xi32, #tpu.memory_space<vmem>>) dst(%dma_wait3A_76 : memref<1024x32xi32, #tpu.memory_space<hbm>>)
      %dma_wait3A_77 = arith.constant 32 : i32
      %dma_wait3A_78 = tpu.memref_slice %arg4[%add3A_14, %dma_wait3A_77] : memref<163840x128xi32, #tpu.memory_space<hbm>> -> memref<1024x32xi32, #tpu.memory_space<hbm>>
      %dma_wait3A_79 = arith.constant 32 : i32
      %dma_wait3A_80 = tpu.memref_slice %arg4[%add3A_14, %dma_wait3A_79] : memref<163840x128xi32, #tpu.memory_space<hbm>> -> memref<1024x32xi32, #tpu.memory_space<hbm>>
      tpu.wait_dma2 semaphore(%arg12 : memref<!tpu.dma_semaphore, #tpu.memory_space<semaphore_mem>>) src(%arg7 : memref<1024x32xi32, #tpu.memory_space<vmem>>) dst(%dma_wait3A_80 : memref<1024x32xi32, #tpu.memory_space<hbm>>)
      %dma_wait3A_81 = arith.constant 64 : i32
      %dma_wait3A_82 = tpu.memref_slice %arg4[%add3A_14, %dma_wait3A_81] : memref<163840x128xi32, #tpu.memory_space<hbm>> -> memref<1024x32xi32, #tpu.memory_space<hbm>>
      %dma_wait3A_83 = arith.constant 64 : i32
      %dma_wait3A_84 = tpu.memref_slice %arg4[%add3A_14, %dma_wait3A_83] : memref<163840x128xi32, #tpu.memory_space<hbm>> -> memref<1024x32xi32, #tpu.memory_space<hbm>>
      tpu.wait_dma2 semaphore(%arg12 : memref<!tpu.dma_semaphore, #tpu.memory_space<semaphore_mem>>) src(%arg8 : memref<1024x32xi32, #tpu.memory_space<vmem>>) dst(%dma_wait3A_84 : memref<1024x32xi32, #tpu.memory_space<hbm>>)
    }
    %scan3A_6 = arith.constant 5 : i32
    return
  }
}

#map = affine_map<(d0, d1) -> (0, 0)>
#map1 = affine_map<(d0, d1) -> (0)>
module attributes {stable_mosaic.version = 14 : i64} {
  func.func @k(%arg0: i32, %arg1: i32, %arg2: memref<10000x32xi32, #tpu.memory_space<hbm>>, %arg3: memref<491520xi32, #tpu.memory_space<hbm>>, %arg4: memref<163840x128xi32, #tpu.memory_space<hbm>>, %arg5: memref<3x1024xi32, #tpu.memory_space<vmem>>, %arg6: memref<1024x32xi32, #tpu.memory_space<vmem>>, %arg7: memref<1024x32xi32, #tpu.memory_space<vmem>>, %arg8: memref<1024x32xi32, #tpu.memory_space<vmem>>, %arg9: memref<!tpu.dma_semaphore, #tpu.memory_space<semaphore_mem>>, %arg10: memref<!tpu.dma_semaphore, #tpu.memory_space<semaphore_mem>>, %arg11: memref<!tpu.dma_semaphore, #tpu.memory_space<semaphore_mem>>, %arg12: memref<!tpu.dma_semaphore, #tpu.memory_space<semaphore_mem>>) attributes {dimension_semantics = [#tpu.dimension_semantics<core_parallel>, #tpu.dimension_semantics<subcore_parallel>], iteration_bounds = array<i64: 2, 16>, scalar_prefetch = 0 : i64, scratch_operands = 8 : i64, tpu.core_type = #tpu.core_type<sc_vector_subcore>, window_params = [{transform_indices = #map}, {transform_indices = #map1}, {transform_indices = #map}]} {
    %mul3A = arith.constant 16 : i32
    %mul3A_0 = arith.muli %arg0, %mul3A : i32
    %add3A = arith.addi %mul3A_0, %arg1 : i32
    %mul3A_1 = arith.constant 5120 : i32
    %mul3A_2 = arith.muli %add3A, %mul3A_1 : i32
    %scan3A = arith.constant 0 : i32
    %scan3A_3 = arith.constant 5 : i32
    %scan3A_4 = arith.addi %scan3A, %scan3A_3 : i32
    %scan3A_5 = arith.constant 1 : i32
    scf.for %scan3A_7 = %scan3A to %scan3A_4 step %scan3A_5  : i32 {
      %mul3A_8 = arith.constant 1 : i32
      %mul3A_9 = arith.muli %scan3A_7, %mul3A_8 : i32
      %add3A_10 = arith.constant 0 : i32
      %add3A_11 = arith.addi %add3A_10, %mul3A_9 : i32
      %mul3A_12 = arith.constant 1024 : i32
      %mul3A_13 = arith.muli %add3A_11, %mul3A_12 : i32
      %add3A_14 = arith.addi %mul3A_2, %mul3A_13 : i32
      %run_scoped3A = arith.constant 0 : i32
      "tpu.region"() ({
        %run_scoped3A_85 = tpu.sem_alloc : memref<!tpu.dma_semaphore, #tpu.memory_space<semaphore_mem>>
        %dma_start3A_86 = arith.constant 0 : i32
        %dma_start3A_87 = tpu.memref_slice %arg5[%run_scoped3A, %dma_start3A_86] : memref<3x1024xi32, #tpu.memory_space<vmem>> -> memref<1x1024xi32, #tpu.memory_space<vmem>>
        %dma_start3A_88 = tpu.memref_squeeze %dma_start3A_87 : memref<1x1024xi32, #tpu.memory_space<vmem>> -> memref<1024xi32, #tpu.memory_space<vmem>>
        %dma_start3A_89 = tpu.memref_slice %arg3[%add3A_14] : memref<491520xi32, #tpu.memory_space<hbm>> -> memref<1024xi32, #tpu.memory_space<hbm>>
        %dma_start3A_90 = arith.constant 0 : i32
        %dma_start3A_91 = tpu.memref_slice %arg5[%run_scoped3A, %dma_start3A_90] : memref<3x1024xi32, #tpu.memory_space<vmem>> -> memref<1x1024xi32, #tpu.memory_space<vmem>>
        %dma_start3A_92 = tpu.memref_squeeze %dma_start3A_91 : memref<1x1024xi32, #tpu.memory_space<vmem>> -> memref<1024xi32, #tpu.memory_space<vmem>>
        %dma_start3A_93 = tpu.memref_slice %arg3[%add3A_14] : memref<491520xi32, #tpu.memory_space<hbm>> -> memref<1024xi32, #tpu.memory_space<hbm>>
        tpu.enqueue_dma source(%dma_start3A_93 : memref<1024xi32, #tpu.memory_space<hbm>>) target(%dma_start3A_92 : memref<1024xi32, #tpu.memory_space<vmem>>) target_semaphore(%run_scoped3A_85 : memref<!tpu.dma_semaphore, #tpu.memory_space<semaphore_mem>>)
        %dma_wait3A_94 = arith.constant 0 : i32
        %dma_wait3A_95 = tpu.memref_slice %arg5[%run_scoped3A, %dma_wait3A_94] : memref<3x1024xi32, #tpu.memory_space<vmem>> -> memref<1x1024xi32, #tpu.memory_space<vmem>>
        %dma_wait3A_96 = tpu.memref_squeeze %dma_wait3A_95 : memref<1x1024xi32, #tpu.memory_space<vmem>> -> memref<1024xi32, #tpu.memory_space<vmem>>
        %dma_wait3A_97 = tpu.memref_slice %arg3[%add3A_14] : memref<491520xi32, #tpu.memory_space<hbm>> -> memref<1024xi32, #tpu.memory_space<hbm>>
        %dma_wait3A_98 = arith.constant 0 : i32
        %dma_wait3A_99 = tpu.memref_slice %arg5[%run_scoped3A, %dma_wait3A_98] : memref<3x1024xi32, #tpu.memory_space<vmem>> -> memref<1x1024xi32, #tpu.memory_space<vmem>>
        %dma_wait3A_100 = tpu.memref_squeeze %dma_wait3A_99 : memref<1x1024xi32, #tpu.memory_space<vmem>> -> memref<1024xi32, #tpu.memory_space<vmem>>
        %dma_wait3A_101 = tpu.memref_slice %arg3[%add3A_14] : memref<491520xi32, #tpu.memory_space<hbm>> -> memref<1024xi32, #tpu.memory_space<hbm>>
        tpu.wait_dma2 semaphore(%run_scoped3A_85 : memref<!tpu.dma_semaphore, #tpu.memory_space<semaphore_mem>>) src(%dma_wait3A_101 : memref<1024xi32, #tpu.memory_space<hbm>>) dst(%dma_wait3A_100 : memref<1024xi32, #tpu.memory_space<vmem>>)
        tpu.yield
      }) : () -> ()
      %dma_start3A = arith.constant 0 : i32
      %dma_start3A_15 = arith.constant 0 : i32
      %dma_start3A_16 = tpu.memref_slice %arg5[%dma_start3A, %dma_start3A_15] : memref<3x1024xi32, #tpu.memory_space<vmem>> -> memref<1x1024xi32, #tpu.memory_space<vmem>>
      %dma_start3A_17 = tpu.memref_squeeze %dma_start3A_16 : memref<1x1024xi32, #tpu.memory_space<vmem>> -> memref<1024xi32, #tpu.memory_space<vmem>>
      %dma_start3A_18 = arith.constant 0 : i32
      %dma_start3A_19 = arith.constant 0 : i32
      %dma_start3A_20 = tpu.memref_slice %arg2[%dma_start3A_18, %dma_start3A_19] : memref<10000x32xi32, #tpu.memory_space<hbm>> -> memref<10000x32xi32, #tpu.memory_space<hbm>>
      tpu.enqueue_indirect_dma source(%dma_start3A_20 : memref<10000x32xi32, #tpu.memory_space<hbm>>) target(%arg6 : memref<1024x32xi32, #tpu.memory_space<vmem>>) offsets(%dma_start3A_17 : memref<1024xi32, #tpu.memory_space<vmem>>) semaphore(%arg9 : memref<!tpu.dma_semaphore, #tpu.memory_space<semaphore_mem>>)
      %add3A_21 = arith.constant 163840 : i32
      %add3A_22 = arith.addi %add3A_21, %add3A_14 : i32
      %run_scoped3A_23 = arith.constant 1 : i32
      "tpu.region"() ({
        %run_scoped3A_85 = tpu.sem_alloc : memref<!tpu.dma_semaphore, #tpu.memory_space<semaphore_mem>>
        %dma_start3A_86 = arith.constant 0 : i32
        %dma_start3A_87 = tpu.memref_slice %arg5[%run_scoped3A_23, %dma_start3A_86] : memref<3x1024xi32, #tpu.memory_space<vmem>> -> memref<1x1024xi32, #tpu.memory_space<vmem>>
        %dma_start3A_88 = tpu.memref_squeeze %dma_start3A_87 : memref<1x1024xi32, #tpu.memory_space<vmem>> -> memref<1024xi32, #tpu.memory_space<vmem>>
        %dma_start3A_89 = tpu.memref_slice %arg3[%add3A_22] : memref<491520xi32, #tpu.memory_space<hbm>> -> memref<1024xi32, #tpu.memory_space<hbm>>
        %dma_start3A_90 = arith.constant 0 : i32
        %dma_start3A_91 = tpu.memref_slice %arg5[%run_scoped3A_23, %dma_start3A_90] : memref<3x1024xi32, #tpu.memory_space<vmem>> -> memref<1x1024xi32, #tpu.memory_space<vmem>>
        %dma_start3A_92 = tpu.memref_squeeze %dma_start3A_91 : memref<1x1024xi32, #tpu.memory_space<vmem>> -> memref<1024xi32, #tpu.memory_space<vmem>>
        %dma_start3A_93 = tpu.memref_slice %arg3[%add3A_22] : memref<491520xi32, #tpu.memory_space<hbm>> -> memref<1024xi32, #tpu.memory_space<hbm>>
        tpu.enqueue_dma source(%dma_start3A_93 : memref<1024xi32, #tpu.memory_space<hbm>>) target(%dma_start3A_92 : memref<1024xi32, #tpu.memory_space<vmem>>) target_semaphore(%run_scoped3A_85 : memref<!tpu.dma_semaphore, #tpu.memory_space<semaphore_mem>>)
        %dma_wait3A_94 = arith.constant 0 : i32
        %dma_wait3A_95 = tpu.memref_slice %arg5[%run_scoped3A_23, %dma_wait3A_94] : memref<3x1024xi32, #tpu.memory_space<vmem>> -> memref<1x1024xi32, #tpu.memory_space<vmem>>
        %dma_wait3A_96 = tpu.memref_squeeze %dma_wait3A_95 : memref<1x1024xi32, #tpu.memory_space<vmem>> -> memref<1024xi32, #tpu.memory_space<vmem>>
        %dma_wait3A_97 = tpu.memref_slice %arg3[%add3A_22] : memref<491520xi32, #tpu.memory_space<hbm>> -> memref<1024xi32, #tpu.memory_space<hbm>>
        %dma_wait3A_98 = arith.constant 0 : i32
        %dma_wait3A_99 = tpu.memref_slice %arg5[%run_scoped3A_23, %dma_wait3A_98] : memref<3x1024xi32, #tpu.memory_space<vmem>> -> memref<1x1024xi32, #tpu.memory_space<vmem>>
        %dma_wait3A_100 = tpu.memref_squeeze %dma_wait3A_99 : memref<1x1024xi32, #tpu.memory_space<vmem>> -> memref<1024xi32, #tpu.memory_space<vmem>>
        %dma_wait3A_101 = tpu.memref_slice %arg3[%add3A_22] : memref<491520xi32, #tpu.memory_space<hbm>> -> memref<1024xi32, #tpu.memory_space<hbm>>
        tpu.wait_dma2 semaphore(%run_scoped3A_85 : memref<!tpu.dma_semaphore, #tpu.memory_space<semaphore_mem>>) src(%dma_wait3A_101 : memref<1024xi32, #tpu.memory_space<hbm>>) dst(%dma_wait3A_100 : memref<1024xi32, #tpu.memory_space<vmem>>)
        tpu.yield
      }) : () -> ()
      %dma_start3A_24 = arith.constant 1 : i32
      %dma_start3A_25 = arith.constant 0 : i32
      %dma_start3A_26 = tpu.memref_slice %arg5[%dma_start3A_24, %dma_start3A_25] : memref<3x1024xi32, #tpu.memory_space<vmem>> -> memref<1x1024xi32, #tpu.memory_space<vmem>>
      %dma_start3A_27 = tpu.memref_squeeze %dma_start3A_26 : memref<1x1024xi32, #tpu.memory_space<vmem>> -> memref<1024xi32, #tpu.memory_space<vmem>>
      %dma_start3A_28 = arith.constant 0 : i32
      %dma_start3A_29 = arith.constant 0 : i32
      %dma_start3A_30 = tpu.memref_slice %arg2[%dma_start3A_28, %dma_start3A_29] : memref<10000x32xi32, #tpu.memory_space<hbm>> -> memref<10000x32xi32, #tpu.memory_space<hbm>>
      tpu.enqueue_indirect_dma source(%dma_start3A_30 : memref<10000x32xi32, #tpu.memory_space<hbm>>) target(%arg7 : memref<1024x32xi32, #tpu.memory_space<vmem>>) offsets(%dma_start3A_27 : memref<1024xi32, #tpu.memory_space<vmem>>) semaphore(%arg10 : memref<!tpu.dma_semaphore, #tpu.memory_space<semaphore_mem>>)
      %add3A_31 = arith.constant 327680 : i32
      %add3A_32 = arith.addi %add3A_31, %add3A_14 : i32
      %run_scoped3A_33 = arith.constant 2 : i32
      "tpu.region"() ({
        %run_scoped3A_85 = tpu.sem_alloc : memref<!tpu.dma_semaphore, #tpu.memory_space<semaphore_mem>>
        %dma_start3A_86 = arith.constant 0 : i32
        %dma_start3A_87 = tpu.memref_slice %arg5[%run_scoped3A_33, %dma_start3A_86] : memref<3x1024xi32, #tpu.memory_space<vmem>> -> memref<1x1024xi32, #tpu.memory_space<vmem>>
        %dma_start3A_88 = tpu.memref_squeeze %dma_start3A_87 : memref<1x1024xi32, #tpu.memory_space<vmem>> -> memref<1024xi32, #tpu.memory_space<vmem>>
        %dma_start3A_89 = tpu.memref_slice %arg3[%add3A_32] : memref<491520xi32, #tpu.memory_space<hbm>> -> memref<1024xi32, #tpu.memory_space<hbm>>
        %dma_start3A_90 = arith.constant 0 : i32
        %dma_start3A_91 = tpu.memref_slice %arg5[%run_scoped3A_33, %dma_start3A_90] : memref<3x1024xi32, #tpu.memory_space<vmem>> -> memref<1x1024xi32, #tpu.memory_space<vmem>>
        %dma_start3A_92 = tpu.memref_squeeze %dma_start3A_91 : memref<1x1024xi32, #tpu.memory_space<vmem>> -> memref<1024xi32, #tpu.memory_space<vmem>>
        %dma_start3A_93 = tpu.memref_slice %arg3[%add3A_32] : memref<491520xi32, #tpu.memory_space<hbm>> -> memref<1024xi32, #tpu.memory_space<hbm>>
        tpu.enqueue_dma source(%dma_start3A_93 : memref<1024xi32, #tpu.memory_space<hbm>>) target(%dma_start3A_92 : memref<1024xi32, #tpu.memory_space<vmem>>) target_semaphore(%run_scoped3A_85 : memref<!tpu.dma_semaphore, #tpu.memory_space<semaphore_mem>>)
        %dma_wait3A_94 = arith.constant 0 : i32
        %dma_wait3A_95 = tpu.memref_slice %arg5[%run_scoped3A_33, %dma_wait3A_94] : memref<3x1024xi32, #tpu.memory_space<vmem>> -> memref<1x1024xi32, #tpu.memory_space<vmem>>
        %dma_wait3A_96 = tpu.memref_squeeze %dma_wait3A_95 : memref<1x1024xi32, #tpu.memory_space<vmem>> -> memref<1024xi32, #tpu.memory_space<vmem>>
        %dma_wait3A_97 = tpu.memref_slice %arg3[%add3A_32] : memref<491520xi32, #tpu.memory_space<hbm>> -> memref<1024xi32, #tpu.memory_space<hbm>>
        %dma_wait3A_98 = arith.constant 0 : i32
        %dma_wait3A_99 = tpu.memref_slice %arg5[%run_scoped3A_33, %dma_wait3A_98] : memref<3x1024xi32, #tpu.memory_space<vmem>> -> memref<1x1024xi32, #tpu.memory_space<vmem>>
        %dma_wait3A_100 = tpu.memref_squeeze %dma_wait3A_99 : memref<1x1024xi32, #tpu.memory_space<vmem>> -> memref<1024xi32, #tpu.memory_space<vmem>>
        %dma_wait3A_101 = tpu.memref_slice %arg3[%add3A_32] : memref<491520xi32, #tpu.memory_space<hbm>> -> memref<1024xi32, #tpu.memory_space<hbm>>
        tpu.wait_dma2 semaphore(%run_scoped3A_85 : memref<!tpu.dma_semaphore, #tpu.memory_space<semaphore_mem>>) src(%dma_wait3A_101 : memref<1024xi32, #tpu.memory_space<hbm>>) dst(%dma_wait3A_100 : memref<1024xi32, #tpu.memory_space<vmem>>)
        tpu.yield
      }) : () -> ()
      %dma_start3A_34 = arith.constant 2 : i32
      %dma_start3A_35 = arith.constant 0 : i32
      %dma_start3A_36 = tpu.memref_slice %arg5[%dma_start3A_34, %dma_start3A_35] : memref<3x1024xi32, #tpu.memory_space<vmem>> -> memref<1x1024xi32, #tpu.memory_space<vmem>>
      %dma_start3A_37 = tpu.memref_squeeze %dma_start3A_36 : memref<1x1024xi32, #tpu.memory_space<vmem>> -> memref<1024xi32, #tpu.memory_space<vmem>>
      %dma_start3A_38 = arith.constant 0 : i32
      %dma_start3A_39 = arith.constant 0 : i32
      %dma_start3A_40 = tpu.memref_slice %arg2[%dma_start3A_38, %dma_start3A_39] : memref<10000x32xi32, #tpu.memory_space<hbm>> -> memref<10000x32xi32, #tpu.memory_space<hbm>>
      tpu.enqueue_indirect_dma source(%dma_start3A_40 : memref<10000x32xi32, #tpu.memory_space<hbm>>) target(%arg8 : memref<1024x32xi32, #tpu.memory_space<vmem>>) offsets(%dma_start3A_37 : memref<1024xi32, #tpu.memory_space<vmem>>) semaphore(%arg11 : memref<!tpu.dma_semaphore, #tpu.memory_space<semaphore_mem>>)
      %dma_wait3A = arith.constant 0 : i32
      %dma_wait3A_41 = arith.constant 0 : i32
      %dma_wait3A_42 = tpu.memref_slice %arg5[%dma_wait3A, %dma_wait3A_41] : memref<3x1024xi32, #tpu.memory_space<vmem>> -> memref<1x1024xi32, #tpu.memory_space<vmem>>
      %dma_wait3A_43 = tpu.memref_squeeze %dma_wait3A_42 : memref<1x1024xi32, #tpu.memory_space<vmem>> -> memref<1024xi32, #tpu.memory_space<vmem>>
      %dma_wait3A_44 = arith.constant 0 : i32
      %dma_wait3A_45 = arith.constant 0 : i32
      %dma_wait3A_46 = tpu.memref_slice %arg2[%dma_wait3A_44, %dma_wait3A_45] : memref<10000x32xi32, #tpu.memory_space<hbm>> -> memref<10000x32xi32, #tpu.memory_space<hbm>>
      tpu.wait_indirect_dma semaphore(%arg9 : memref<!tpu.dma_semaphore, #tpu.memory_space<semaphore_mem>>) src(%dma_wait3A_46 : memref<10000x32xi32, #tpu.memory_space<hbm>>) dst(%arg6 : memref<1024x32xi32, #tpu.memory_space<vmem>>)
      %dma_start3A_47 = arith.constant 0 : i32
      %dma_start3A_48 = tpu.memref_slice %arg4[%add3A_14, %dma_start3A_47] : memref<163840x128xi32, #tpu.memory_space<hbm>> -> memref<1024x32xi32, #tpu.memory_space<hbm>>
      %dma_start3A_49 = arith.constant 0 : i32
      %dma_start3A_50 = tpu.memref_slice %arg4[%add3A_14, %dma_start3A_49] : memref<163840x128xi32, #tpu.memory_space<hbm>> -> memref<1024x32xi32, #tpu.memory_space<hbm>>
      tpu.enqueue_dma source(%arg6 : memref<1024x32xi32, #tpu.memory_space<vmem>>) target(%dma_start3A_50 : memref<1024x32xi32, #tpu.memory_space<hbm>>) target_semaphore(%arg12 : memref<!tpu.dma_semaphore, #tpu.memory_space<semaphore_mem>>)
      %dma_wait3A_51 = arith.constant 1 : i32
      %dma_wait3A_52 = arith.constant 0 : i32
      %dma_wait3A_53 = tpu.memref_slice %arg5[%dma_wait3A_51, %dma_wait3A_52] : memref<3x1024xi32, #tpu.memory_space<vmem>> -> memref<1x1024xi32, #tpu.memory_space<vmem>>
      %dma_wait3A_54 = tpu.memref_squeeze %dma_wait3A_53 : memref<1x1024xi32, #tpu.memory_space<vmem>> -> memref<1024xi32, #tpu.memory_space<vmem>>
      %dma_wait3A_55 = arith.constant 0 : i32
      %dma_wait3A_56 = arith.constant 0 : i32
      %dma_wait3A_57 = tpu.memref_slice %arg2[%dma_wait3A_55, %dma_wait3A_56] : memref<10000x32xi32, #tpu.memory_space<hbm>> -> memref<10000x32xi32, #tpu.memory_space<hbm>>
      tpu.wait_indirect_dma semaphore(%arg10 : memref<!tpu.dma_semaphore, #tpu.memory_space<semaphore_mem>>) src(%dma_wait3A_57 : memref<10000x32xi32, #tpu.memory_space<hbm>>) dst(%arg7 : memref<1024x32xi32, #tpu.memory_space<vmem>>)
      %dma_start3A_58 = arith.constant 32 : i32
      %dma_start3A_59 = tpu.memref_slice %arg4[%add3A_14, %dma_start3A_58] : memref<163840x128xi32, #tpu.memory_space<hbm>> -> memref<1024x32xi32, #tpu.memory_space<hbm>>
      %dma_start3A_60 = arith.constant 32 : i32
      %dma_start3A_61 = tpu.memref_slice %arg4[%add3A_14, %dma_start3A_60] : memref<163840x128xi32, #tpu.memory_space<hbm>> -> memref<1024x32xi32, #tpu.memory_space<hbm>>
      tpu.enqueue_dma source(%arg7 : memref<1024x32xi32, #tpu.memory_space<vmem>>) target(%dma_start3A_61 : memref<1024x32xi32, #tpu.memory_space<hbm>>) target_semaphore(%arg12 : memref<!tpu.dma_semaphore, #tpu.memory_space<semaphore_mem>>)
      %dma_wait3A_62 = arith.constant 2 : i32
      %dma_wait3A_63 = arith.constant 0 : i32
      %dma_wait3A_64 = tpu.memref_slice %arg5[%dma_wait3A_62, %dma_wait3A_63] : memref<3x1024xi32, #tpu.memory_space<vmem>> -> memref<1x1024xi32, #tpu.memory_space<vmem>>
      %dma_wait3A_65 = tpu.memref_squeeze %dma_wait3A_64 : memref<1x1024xi32, #tpu.memory_space<vmem>> -> memref<1024xi32, #tpu.memory_space<vmem>>
      %dma_wait3A_66 = arith.constant 0 : i32
      %dma_wait3A_67 = arith.constant 0 : i32
      %dma_wait3A_68 = tpu.memref_slice %arg2[%dma_wait3A_66, %dma_wait3A_67] : memref<10000x32xi32, #tpu.memory_space<hbm>> -> memref<10000x32xi32, #tpu.memory_space<hbm>>
      tpu.wait_indirect_dma semaphore(%arg11 : memref<!tpu.dma_semaphore, #tpu.memory_space<semaphore_mem>>) src(%dma_wait3A_68 : memref<10000x32xi32, #tpu.memory_space<hbm>>) dst(%arg8 : memref<1024x32xi32, #tpu.memory_space<vmem>>)
      %dma_start3A_69 = arith.constant 64 : i32
      %dma_start3A_70 = tpu.memref_slice %arg4[%add3A_14, %dma_start3A_69] : memref<163840x128xi32, #tpu.memory_space<hbm>> -> memref<1024x32xi32, #tpu.memory_space<hbm>>
      %dma_start3A_71 = arith.constant 64 : i32
      %dma_start3A_72 = tpu.memref_slice %arg4[%add3A_14, %dma_start3A_71] : memref<163840x128xi32, #tpu.memory_space<hbm>> -> memref<1024x32xi32, #tpu.memory_space<hbm>>
      tpu.enqueue_dma source(%arg8 : memref<1024x32xi32, #tpu.memory_space<vmem>>) target(%dma_start3A_72 : memref<1024x32xi32, #tpu.memory_space<hbm>>) target_semaphore(%arg12 : memref<!tpu.dma_semaphore, #tpu.memory_space<semaphore_mem>>)
      %dma_wait3A_73 = arith.constant 0 : i32
      %dma_wait3A_74 = tpu.memref_slice %arg4[%add3A_14, %dma_wait3A_73] : memref<163840x128xi32, #tpu.memory_space<hbm>> -> memref<1024x32xi32, #tpu.memory_space<hbm>>
      %dma_wait3A_75 = arith.constant 0 : i32
      %dma_wait3A_76 = tpu.memref_slice %arg4[%add3A_14, %dma_wait3A_75] : memref<163840x128xi32, #tpu.memory_space<hbm>> -> memref<1024x32xi32, #tpu.memory_space<hbm>>
      tpu.wait_dma2 semaphore(%arg12 : memref<!tpu.dma_semaphore, #tpu.memory_space<semaphore_mem>>) src(%arg6 : memref<1024x32xi32, #tpu.memory_space<vmem>>) dst(%dma_wait3A_76 : memref<1024x32xi32, #tpu.memory_space<hbm>>)
      %dma_wait3A_77 = arith.constant 32 : i32
      %dma_wait3A_78 = tpu.memref_slice %arg4[%add3A_14, %dma_wait3A_77] : memref<163840x128xi32, #tpu.memory_space<hbm>> -> memref<1024x32xi32, #tpu.memory_space<hbm>>
      %dma_wait3A_79 = arith.constant 32 : i32
      %dma_wait3A_80 = tpu.memref_slice %arg4[%add3A_14, %dma_wait3A_79] : memref<163840x128xi32, #tpu.memory_space<hbm>> -> memref<1024x32xi32, #tpu.memory_space<hbm>>
      tpu.wait_dma2 semaphore(%arg12 : memref<!tpu.dma_semaphore, #tpu.memory_space<semaphore_mem>>) src(%arg7 : memref<1024x32xi32, #tpu.memory_space<vmem>>) dst(%dma_wait3A_80 : memref<1024x32xi32, #tpu.memory_space<hbm>>)
      %dma_wait3A_81 = arith.constant 64 : i32
      %dma_wait3A_82 = tpu.memref_slice %arg4[%add3A_14, %dma_wait3A_81] : memref<163840x128xi32, #tpu.memory_space<hbm>> -> memref<1024x32xi32, #tpu.memory_space<hbm>>
      %dma_wait3A_83 = arith.constant 64 : i32
      %dma_wait3A_84 = tpu.memref_slice %arg4[%add3A_14, %dma_wait3A_83] : memref<163840x128xi32, #tpu.memory_space<hbm>> -> memref<1024x32xi32, #tpu.memory_space<hbm>>
      tpu.wait_dma2 semaphore(%arg12 : memref<!tpu.dma_semaphore, #tpu.memory_space<semaphore_mem>>) src(%arg8 : memref<1024x32xi32, #tpu.memory_space<vmem>>) dst(%dma_wait3A_84 : memref<1024x32xi32, #tpu.memory_space<hbm>>)
    }
    %scan3A_6 = arith.constant 5 : i32
    return
  }
}

module attributes {stable_mosaic.version = 14 : i64} {
  func.func @_tf_body(%arg0: i32, %arg1: memref<1000x128xf32, #tpu.memory_space<vmem>>, %arg2: memref<1x128x64xf32, #tpu.memory_space<vmem>>, %arg3: memref<1x1x64xf32, #tpu.memory_space<vmem>>, %arg4: memref<1000x64xf32, #tpu.memory_space<vmem>>) attributes {dimension_semantics = [#tpu.dimension_semantics<arbitrary>], iteration_bounds = array<i64: 10>, scalar_prefetch = 0 : i64, scratch_operands = 0 : i64, tpu.core_type = #tpu.core_type<tc>, window_params = [{transform_indices = @transform_0, window_bounds = array<i64: 1000, 128>}, {transform_indices = @transform_1, window_bounds = array<i64: 1, 128, 64>}, {transform_indices = @transform_2, window_bounds = array<i64: 1, 1, 64>}, {transform_indices = @transform_3, window_bounds = array<i64: 1000, 64>}]} {
    %get3A = arith.constant 0 : index
    %get3A_0 = arith.constant 0 : index
    %get3A_1 = vector.load %arg1[%get3A, %get3A_0] : memref<1000x128xf32, #tpu.memory_space<vmem>>, vector<1000x128xf32>
    %get3A_2 = arith.constant 0 : index
    %get3A_3 = arith.constant 0 : index
    %get3A_4 = arith.constant 0 : index
    %get3A_5 = vector.load %arg2[%get3A_2, %get3A_3, %get3A_4] : memref<1x128x64xf32, #tpu.memory_space<vmem>>, vector<1x128x64xf32>
    %get3A_6 = vector.shape_cast %get3A_5 : vector<1x128x64xf32> to vector<128x64xf32>
    %dot_general3A = arith.constant dense<0.000000e+00> : vector<1000x64xf32>
    %dot_general3A_7 = tpu.matmul %get3A_1, %get3A_6, %dot_general3A {dimension_numbers = #tpu.dot_dimension_numbers<[1], [0], [0], [1], [0, 0, 1, 1], [], []>, precision = #tpu.contract_precision<fp32>, transpose_lhs_hint = false} : vector<1000x128xf32>, vector<128x64xf32>, vector<1000x64xf32> -> vector<1000x64xf32>
    %get3A_8 = arith.constant 0 : index
    %get3A_9 = arith.constant 0 : index
    %get3A_10 = arith.constant 0 : index
    %get3A_11 = vector.load %arg3[%get3A_8, %get3A_9, %get3A_10] : memref<1x1x64xf32, #tpu.memory_space<vmem>>, vector<1x1x64xf32>
    %get3A_12 = vector.shape_cast %get3A_11 : vector<1x1x64xf32> to vector<1x64xf32>
    %add3A = vector.broadcast %get3A_12 : vector<1x64xf32> to vector<1000x64xf32>
    %add3A_13 = arith.addf %dot_general3A_7, %add3A : vector<1000x64xf32>
    %swap3A = arith.constant 0 : index
    %swap3A_14 = arith.constant 0 : index
    %swap3A_15 = vector.load %arg4[%swap3A, %swap3A_14] : memref<1000x64xf32, #tpu.memory_space<vmem>>, vector<1000x64xf32>
    tpu.vector_store %arg4[%swap3A, %swap3A_14], %add3A_13 {strides = array<i32>} : memref<1000x64xf32, #tpu.memory_space<vmem>>, vector<1000x64xf32>,
    return
  }
  func.func @transform_0(%arg0: i32) -> (i32, i32) {
    %c0_i32 = arith.constant 0 : i32
    %c0_i32_0 = arith.constant 0 : i32
    return %arg0, %c0_i32 : i32, i32
  }
  func.func @transform_1(%arg0: i32) -> (i32, i32, i32) {
    %lt3A = arith.constant 2 : i32
    %lt3A_0 = arith.cmpi slt, %arg0, %lt3A : i32
    %lt3A_1 = arith.constant 6 : i32
    %lt3A_2 = arith.cmpi slt, %arg0, %lt3A_1 : i32
    %jit3A = arith.constant 1 : i32
    %jit3A_3 = arith.constant 2 : i32
    %select_n3A = arith.select %lt3A_2, %jit3A, %jit3A_3 : i32
    %jit3A_4 = arith.constant 0 : i32
    %select_n3A_5 = arith.select %lt3A_0, %jit3A_4, %select_n3A : i32
    %c0_i32 = arith.constant 0 : i32
    %c0_i32_6 = arith.constant 0 : i32
    %c0_i32_7 = arith.constant 0 : i32
    return %select_n3A_5, %c0_i32, %c0_i32_6 : i32, i32, i32
  }
  func.func @transform_2(%arg0: i32) -> (i32, i32, i32) {
    %lt3A = arith.constant 2 : i32
    %lt3A_0 = arith.cmpi slt, %arg0, %lt3A : i32
    %lt3A_1 = arith.constant 6 : i32
    %lt3A_2 = arith.cmpi slt, %arg0, %lt3A_1 : i32
    %jit3A = arith.constant 1 : i32
    %jit3A_3 = arith.constant 2 : i32
    %select_n3A = arith.select %lt3A_2, %jit3A, %jit3A_3 : i32
    %jit3A_4 = arith.constant 0 : i32
    %select_n3A_5 = arith.select %lt3A_0, %jit3A_4, %select_n3A : i32
    %c0_i32 = arith.constant 0 : i32
    %c0_i32_6 = arith.constant 0 : i32
    %c0_i32_7 = arith.constant 0 : i32
    return %select_n3A_5, %c0_i32, %c0_i32_6 : i32, i32, i32
  }
  func.func @transform_3(%arg0: i32) -> (i32, i32) {
    %c0_i32 = arith.constant 0 : i32
    %c0_i32_0 = arith.constant 0 : i32
    return %arg0, %c0_i32 : i32, i32
  }
}

module attributes {stable_mosaic.version = 14 : i64} {
  func.func @_hgnn_body(%arg0: i32, %arg1: memref<1000x64xf32, #tpu.memory_space<vmem>>, %arg2: memref<1000x64xf32, #tpu.memory_space<vmem>>, %arg3: memref<64x2000xf32, #tpu.memory_space<vmem>>, %arg4: memref<8x64x128xf32, #tpu.memory_space<vmem>>, %arg5: memref<8x128x64xf32, #tpu.memory_space<vmem>>, %arg6: memref<2000x64xf32, #tpu.memory_space<vmem>>, %arg7: memref<1000x32xi32, #tpu.memory_space<vmem>>) attributes {dimension_semantics = [#tpu.dimension_semantics<arbitrary>], iteration_bounds = array<i64: 10>, scalar_prefetch = 0 : i64, scratch_operands = 0 : i64, tpu.core_type = #tpu.core_type<tc>, window_params = [{transform_indices = @transform_0, window_bounds = array<i64: 1000, 64>}, {transform_indices = @transform_1, window_bounds = array<i64: 1000, 64>}, {pipeline_mode = #tpu.pipeline_mode<synchronous>, transform_indices = @transform_2, window_bounds = array<i64: 64, 2000>}, {pipeline_mode = #tpu.pipeline_mode<synchronous>, transform_indices = @transform_3, window_bounds = array<i64: 8, 64, 128>}, {pipeline_mode = #tpu.pipeline_mode<synchronous>, transform_indices = @transform_4, window_bounds = array<i64: 8, 128, 64>}, {transform_indices = @transform_5, window_bounds = array<i64: 2000, 64>}, {transform_indices = @transform_6, window_bounds = array<i64: 1000, 32>}]} {
    %lt3A = arith.constant 2 : i32
    %lt3A_0 = arith.cmpi slt, %arg0, %lt3A : i32
    %convert_element_type3A = arith.extui %lt3A_0 : i1 to i32
    %cond3A = arith.constant 0 : i32
    %cond3A_1 = arith.cmpi ne, %convert_element_type3A, %cond3A : i32
    scf.if %cond3A_1 {
      %get3A = arith.constant 0 : index
      %get3A_6 = arith.constant 0 : index
      %get3A_7 = vector.load %arg2[%get3A, %get3A_6] : memref<1000x64xf32, #tpu.memory_space<vmem>>, vector<1000x64xf32>
      %bitcast_convert_type3A = tpu.bitcast %get3A_7 : vector<1000x64xf32> -> vector<1000x64xi32>
      %slice3A = vector.extract_strided_slice %bitcast_convert_type3A {offsets = [0, 0], sizes = [1000, 32], strides = [1, 1]} : vector<1000x64xi32> to vector<1000x32xi32>
      %add3A = arith.constant 32768 : i32
      %add3A_8 = vector.broadcast %add3A : i32 to vector<1000x32xi32>
      %add3A_9 = arith.addi %slice3A, %add3A_8 : vector<1000x32xi32>
      %shift_right_logical3A = arith.constant 16 : i32
      %shift_right_logical3A_10 = vector.broadcast %shift_right_logical3A : i32 to vector<1000x32xi32>
      %shift_right_logical3A_11 = arith.shrui %add3A_9, %shift_right_logical3A_10 : vector<1000x32xi32>
      %slice3A_12 = vector.extract_strided_slice %bitcast_convert_type3A {offsets = [0, 32], sizes = [1000, 32], strides = [1, 1]} : vector<1000x64xi32> to vector<1000x32xi32>
      %add3A_13 = arith.constant 32768 : i32
      %add3A_14 = vector.broadcast %add3A_13 : i32 to vector<1000x32xi32>
      %add3A_15 = arith.addi %slice3A_12, %add3A_14 : vector<1000x32xi32>
      %and3A = arith.constant -65536 : i32
      %and3A_16 = vector.broadcast %and3A : i32 to vector<1000x32xi32>
      %and3A_17 = arith.andi %add3A_15, %and3A_16 : vector<1000x32xi32>
      %or3A = arith.ori %shift_right_logical3A_11, %and3A_17 : vector<1000x32xi32>
      %swap3A = arith.constant 0 : index
      %swap3A_18 = arith.constant 0 : index
      %swap3A_19 = vector.load %arg7[%swap3A, %swap3A_18] : memref<1000x32xi32, #tpu.memory_space<vmem>>, vector<1000x32xi32>
      tpu.vector_store %arg7[%swap3A, %swap3A_18], %or3A {strides = array<i32>} : memref<1000x32xi32, #tpu.memory_space<vmem>>, vector<1000x32xi32>,
    } else {
    }
    %ge3A = arith.constant 2 : i32
    %ge3A_2 = arith.cmpi sge, %arg0, %ge3A : i32
    %convert_element_type3A_3 = arith.extui %ge3A_2 : i1 to i32
    %cond3A_4 = arith.constant 0 : i32
    %cond3A_5 = arith.cmpi ne, %convert_element_type3A_3, %cond3A_4 : i32
    scf.if %cond3A_5 {
      %get3A = arith.constant 0 : index
      %get3A_6 = arith.constant 0 : index
      %get3A_7 = vector.load %arg1[%get3A, %get3A_6] : memref<1000x64xf32, #tpu.memory_space<vmem>>, vector<1000x64xf32>
      %convert_element_type3A_8 = arith.truncf %get3A_7 : vector<1000x64xf32> to vector<1000x64xbf16>
      %get3A_9 = arith.constant 0 : index
      %get3A_10 = arith.constant 0 : index
      %get3A_11 = vector.load %arg6[%get3A_9, %get3A_10] : memref<2000x64xf32, #tpu.memory_space<vmem>>, vector<2000x64xf32>
      %convert_element_type3A_12 = arith.truncf %get3A_11 : vector<2000x64xf32> to vector<2000x64xbf16>
      %get3A_13 = arith.constant 0 : index
      %get3A_14 = arith.constant 0 : index
      %get3A_15 = vector.load %arg3[%get3A_13, %get3A_14] : memref<64x2000xf32, #tpu.memory_space<vmem>>, vector<64x2000xf32>
      %convert_element_type3A_16 = arith.truncf %get3A_15 : vector<64x2000xf32> to vector<64x2000xbf16>
      %broadcast_in_dim3A = arith.constant 0.000000e+00 : f32
      %broadcast_in_dim3A_17 = vector.broadcast %broadcast_in_dim3A : f32 to vector<1000x64xf32>
      %scan3A = arith.constant 0 : i32
      %scan3A_18 = arith.constant 8 : i32
      %scan3A_19 = arith.addi %scan3A, %scan3A_18 : i32
      %scan3A_20 = arith.constant 1 : i32
      %scan3A_21 = scf.for %scan3A_41 = %scan3A to %scan3A_19 step %scan3A_20 iter_args(%scan3A_42 = %broadcast_in_dim3A_17) -> (vector<1000x64xf32>)  : i32 {
        %get3A_43 = arith.index_cast %scan3A_41 : i32 to index
        %get3A_44 = arith.constant 0 : index
        %get3A_45 = arith.constant 0 : index
        %get3A_46 = vector.load %arg4[%get3A_43, %get3A_44, %get3A_45] : memref<8x64x128xf32, #tpu.memory_space<vmem>>, vector<1x64x128xf32>
        %get3A_47 = vector.shape_cast %get3A_46 : vector<1x64x128xf32> to vector<64x128xf32>
        %convert_element_type3A_48 = arith.truncf %get3A_47 : vector<64x128xf32> to vector<64x128xbf16>
        %dot_general3A = arith.constant dense<0.000000e+00> : vector<1000x128xf32>
        %dot_general3A_49 = tpu.matmul %convert_element_type3A_8, %convert_element_type3A_48, %dot_general3A {dimension_numbers = #tpu.dot_dimension_numbers<[1], [0], [0], [1], [0, 0, 1, 1], [], []>, transpose_lhs_hint = false} : vector<1000x64xbf16>, vector<64x128xbf16>, vector<1000x128xf32> -> vector<1000x128xf32>
        %logistic3A = arith.negf %dot_general3A_49 : vector<1000x128xf32>
        %logistic3A_50 = math.exp %logistic3A : vector<1000x128xf32>
        %logistic3A_51 = arith.constant 1.000000e+00 : f32
        %logistic3A_52 = vector.broadcast %logistic3A_51 : f32 to vector<1000x128xf32>
        %logistic3A_53 = arith.addf %logistic3A_52, %logistic3A_50 : vector<1000x128xf32>
        %logistic3A_54 = arith.divf %logistic3A_52, %logistic3A_53 : vector<1000x128xf32>
        %get3A_55 = arith.index_cast %scan3A_41 : i32 to index
        %get3A_56 = arith.constant 0 : index
        %get3A_57 = arith.constant 0 : index
        %get3A_58 = vector.load %arg5[%get3A_55, %get3A_56, %get3A_57] : memref<8x128x64xf32, #tpu.memory_space<vmem>>, vector<1x128x64xf32>
        %get3A_59 = vector.shape_cast %get3A_58 : vector<1x128x64xf32> to vector<128x64xf32>
        %convert_element_type3A_60 = arith.truncf %get3A_59 : vector<128x64xf32> to vector<128x64xbf16>
        %dot_general3A_61 = arith.constant dense<0.000000e+00> : vector<128x2000xf32>
        %dot_general3A_62 = tpu.matmul %convert_element_type3A_60, %convert_element_type3A_16, %dot_general3A_61 {dimension_numbers = #tpu.dot_dimension_numbers<[1], [0], [0], [1], [0, 0, 1, 1], [], []>, transpose_lhs_hint = false} : vector<128x64xbf16>, vector<64x2000xbf16>, vector<128x2000xf32> -> vector<128x2000xf32>
        %logistic3A_63 = arith.negf %dot_general3A_62 : vector<128x2000xf32>
        %logistic3A_64 = math.exp %logistic3A_63 : vector<128x2000xf32>
        %logistic3A_65 = arith.constant 1.000000e+00 : f32
        %logistic3A_66 = vector.broadcast %logistic3A_65 : f32 to vector<128x2000xf32>
        %logistic3A_67 = arith.addf %logistic3A_66, %logistic3A_64 : vector<128x2000xf32>
        %logistic3A_68 = arith.divf %logistic3A_66, %logistic3A_67 : vector<128x2000xf32>
        %convert_element_type3A_69 = arith.truncf %logistic3A_54 : vector<1000x128xf32> to vector<1000x128xbf16>
        %convert_element_type3A_70 = arith.extf %convert_element_type3A_69 : vector<1000x128xbf16> to vector<1000x128xf32>
        %sub3A = arith.subf %logistic3A_54, %convert_element_type3A_70 : vector<1000x128xf32>
        %convert_element_type3A_71 = arith.truncf %sub3A : vector<1000x128xf32> to vector<1000x128xbf16>
        %convert_element_type3A_72 = arith.truncf %logistic3A_68 : vector<128x2000xf32> to vector<128x2000xbf16>
        %dot_general3A_73 = arith.constant dense<0.000000e+00> : vector<1000x2000xf32>
        %dot_general3A_74 = tpu.matmul %convert_element_type3A_69, %convert_element_type3A_72, %dot_general3A_73 {dimension_numbers = #tpu.dot_dimension_numbers<[1], [0], [0], [1], [0, 0, 1, 1], [], []>, transpose_lhs_hint = false} : vector<1000x128xbf16>, vector<128x2000xbf16>, vector<1000x2000xf32> -> vector<1000x2000xf32>
        %dot_general3A_75 = arith.constant dense<0.000000e+00> : vector<1000x2000xf32>
        %dot_general3A_76 = tpu.matmul %convert_element_type3A_71, %convert_element_type3A_72, %dot_general3A_75 {dimension_numbers = #tpu.dot_dimension_numbers<[1], [0], [0], [1], [0, 0, 1, 1], [], []>, transpose_lhs_hint = false} : vector<1000x128xbf16>, vector<128x2000xbf16>, vector<1000x2000xf32> -> vector<1000x2000xf32>
        %add3A_77 = arith.addf %dot_general3A_74, %dot_general3A_76 : vector<1000x2000xf32>
        %reduce_max3A = arith.constant dense<0xFF800000> : vector<1000xf32>
        %reduce_max3A_78 = vector.multi_reduction <maximumf>, %add3A_77, %reduce_max3A [1] : vector<1000x2000xf32> to vector<1000xf32>
        %broadcast_in_dim3A_79 = vector.shape_cast %reduce_max3A_78 : vector<1000xf32> to vector<1000x1xf32>
        %sub3A_80 = vector.broadcast %broadcast_in_dim3A_79 : vector<1000x1xf32> to vector<1000x2000xf32>
        %sub3A_81 = arith.subf %add3A_77, %sub3A_80 : vector<1000x2000xf32>
        %exp3A = math.exp %sub3A_81 : vector<1000x2000xf32>
        %reduce_sum3A = arith.constant dense<0.000000e+00> : vector<1000xf32>
        %reduce_sum3A_82 = vector.multi_reduction <add>, %exp3A, %reduce_sum3A [1] : vector<1000x2000xf32> to vector<1000xf32>
        %broadcast_in_dim3A_83 = vector.shape_cast %reduce_sum3A_82 : vector<1000xf32> to vector<1000x1xf32>
        %div3A = vector.broadcast %broadcast_in_dim3A_83 : vector<1000x1xf32> to vector<1000x2000xf32>
        %div3A_84 = arith.divf %exp3A, %div3A : vector<1000x2000xf32>
        %convert_element_type3A_85 = arith.truncf %div3A_84 : vector<1000x2000xf32> to vector<1000x2000xbf16>
        %dot_general3A_86 = arith.constant dense<0.000000e+00> : vector<1000x64xf32>
        %dot_general3A_87 = tpu.matmul %convert_element_type3A_85, %convert_element_type3A_12, %dot_general3A_86 {dimension_numbers = #tpu.dot_dimension_numbers<[1], [0], [0], [1], [0, 0, 1, 1], [], []>, transpose_lhs_hint = false} : vector<1000x2000xbf16>, vector<2000x64xbf16>, vector<1000x64xf32> -> vector<1000x64xf32>
        %add3A_88 = arith.addf %scan3A_42, %dot_general3A_87 : vector<1000x64xf32>
        scf.yield %add3A_88 : vector<1000x64xf32>
      }
      %scan3A_22 = arith.constant 8 : i32
      %get3A_23 = arith.constant 0 : index
      %get3A_24 = arith.constant 0 : index
      %get3A_25 = vector.load %arg2[%get3A_23, %get3A_24] : memref<1000x64xf32, #tpu.memory_space<vmem>>, vector<1000x64xf32>
      %mul3A = arith.constant 1.250000e-01 : f32
      %mul3A_26 = vector.broadcast %mul3A : f32 to vector<1000x64xf32>
      %mul3A_27 = arith.mulf %scan3A_21, %mul3A_26 : vector<1000x64xf32>
      %add3A = arith.addf %get3A_25, %mul3A_27 : vector<1000x64xf32>
      %bitcast_convert_type3A = tpu.bitcast %add3A : vector<1000x64xf32> -> vector<1000x64xi32>
      %slice3A = vector.extract_strided_slice %bitcast_convert_type3A {offsets = [0, 0], sizes = [1000, 32], strides = [1, 1]} : vector<1000x64xi32> to vector<1000x32xi32>
      %add3A_28 = arith.constant 32768 : i32
      %add3A_29 = vector.broadcast %add3A_28 : i32 to vector<1000x32xi32>
      %add3A_30 = arith.addi %slice3A, %add3A_29 : vector<1000x32xi32>
      %shift_right_logical3A = arith.constant 16 : i32
      %shift_right_logical3A_31 = vector.broadcast %shift_right_logical3A : i32 to vector<1000x32xi32>
      %shift_right_logical3A_32 = arith.shrui %add3A_30, %shift_right_logical3A_31 : vector<1000x32xi32>
      %slice3A_33 = vector.extract_strided_slice %bitcast_convert_type3A {offsets = [0, 32], sizes = [1000, 32], strides = [1, 1]} : vector<1000x64xi32> to vector<1000x32xi32>
      %add3A_34 = arith.constant 32768 : i32
      %add3A_35 = vector.broadcast %add3A_34 : i32 to vector<1000x32xi32>
      %add3A_36 = arith.addi %slice3A_33, %add3A_35 : vector<1000x32xi32>
      %and3A = arith.constant -65536 : i32
      %and3A_37 = vector.broadcast %and3A : i32 to vector<1000x32xi32>
      %and3A_38 = arith.andi %add3A_36, %and3A_37 : vector<1000x32xi32>
      %or3A = arith.ori %shift_right_logical3A_32, %and3A_38 : vector<1000x32xi32>
      %swap3A = arith.constant 0 : index
      %swap3A_39 = arith.constant 0 : index
      %swap3A_40 = vector.load %arg7[%swap3A, %swap3A_39] : memref<1000x32xi32, #tpu.memory_space<vmem>>, vector<1000x32xi32>
      tpu.vector_store %arg7[%swap3A, %swap3A_39], %or3A {strides = array<i32>} : memref<1000x32xi32, #tpu.memory_space<vmem>>, vector<1000x32xi32>,
    } else {
    }
    return
  }
  func.func @transform_0(%arg0: i32) -> (i32, i32) {
    %c0_i32 = arith.constant 0 : i32
    %c0_i32_0 = arith.constant 0 : i32
    return %arg0, %c0_i32 : i32, i32
  }
  func.func @transform_1(%arg0: i32) -> (i32, i32) {
    %c0_i32 = arith.constant 0 : i32
    %c0_i32_0 = arith.constant 0 : i32
    return %arg0, %c0_i32 : i32, i32
  }
  func.func @transform_2(%arg0: i32) -> (i32, i32) {
    %c0_i32 = arith.constant 0 : i32
    %c0_i32_0 = arith.constant 0 : i32
    %c0_i32_1 = arith.constant 0 : i32
    return %c0_i32, %c0_i32_0 : i32, i32
  }
  func.func @transform_3(%arg0: i32) -> (i32, i32, i32) {
    %c0_i32 = arith.constant 0 : i32
    %c0_i32_0 = arith.constant 0 : i32
    %c0_i32_1 = arith.constant 0 : i32
    %c0_i32_2 = arith.constant 0 : i32
    return %c0_i32, %c0_i32_0, %c0_i32_1 : i32, i32, i32
  }
  func.func @transform_4(%arg0: i32) -> (i32, i32, i32) {
    %c0_i32 = arith.constant 0 : i32
    %c0_i32_0 = arith.constant 0 : i32
    %c0_i32_1 = arith.constant 0 : i32
    %c0_i32_2 = arith.constant 0 : i32
    return %c0_i32, %c0_i32_0, %c0_i32_1 : i32, i32, i32
  }
  func.func @transform_5(%arg0: i32) -> (i32, i32) {
    %c0_i32 = arith.constant 0 : i32
    %c0_i32_0 = arith.constant 0 : i32
    %c0_i32_1 = arith.constant 0 : i32
    return %c0_i32, %c0_i32_0 : i32, i32
  }
  func.func @transform_6(%arg0: i32) -> (i32, i32) {
    %c0_i32 = arith.constant 0 : i32
    %c0_i32_0 = arith.constant 0 : i32
    return %arg0, %c0_i32 : i32, i32
  }
}

module attributes {stable_mosaic.version = 14 : i64} {
  func.func @_tpad_body(%arg0: i32, %arg1: memref<512x1xi32, #tpu.memory_space<vmem>>, %arg2: memref<1x2048xi32, #tpu.memory_space<vmem>>, %arg3: memref<512x1xi32, #tpu.memory_space<vmem>>) attributes {dimension_semantics = [#tpu.dimension_semantics<arbitrary>], iteration_bounds = array<i64: 4>, scalar_prefetch = 0 : i64, scratch_operands = 0 : i64, tpu.core_type = #tpu.core_type<tc>, window_params = [{transform_indices = @transform_0, window_bounds = array<i64: 512, 1>}, {pipeline_mode = #tpu.pipeline_mode<synchronous>, transform_indices = @transform_1, window_bounds = array<i64: 1, 2048>}, {transform_indices = @transform_2, window_bounds = array<i64: 512, 1>}]} {
    %get3A = arith.constant 0 : index
    %get3A_0 = arith.constant 0 : index
    %get3A_1 = vector.load %arg1[%get3A, %get3A_0] : memref<512x1xi32, #tpu.memory_space<vmem>>, vector<512x1xi32>
    %get3A_2 = arith.constant 0 : index
    %get3A_3 = arith.constant 0 : index
    %get3A_4 = vector.load %arg2[%get3A_2, %get3A_3] : memref<1x2048xi32, #tpu.memory_space<vmem>>, vector<1x2048xi32>
    %iota3A = tpu.iota {dimensions = array<i32: 1>} : vector<512x2048xi32>
    %eq3A = vector.broadcast %get3A_1 : vector<512x1xi32> to vector<512x2048xi32>
    %eq3A_5 = vector.broadcast %get3A_4 : vector<1x2048xi32> to vector<512x2048xi32>
    %eq3A_6 = arith.cmpi eq, %eq3A, %eq3A_5 : vector<512x2048xi32>
    %jit3A = arith.constant -1 : i32
    %broadcast_in_dim3A = vector.broadcast %jit3A : i32 to vector<512x2048xi32>
    %select_n3A = arith.select %eq3A_6, %iota3A, %broadcast_in_dim3A : vector<512x2048xi1>, vector<512x2048xi32>
    %reduce_max3A = arith.constant dense<-2147483648> : vector<512xi32>
    %reduce_max3A_7 = vector.multi_reduction <maxsi>, %select_n3A, %reduce_max3A [1] : vector<512x2048xi32> to vector<512xi32>
    %broadcast_in_dim3A_8 = vector.shape_cast %reduce_max3A_7 : vector<512xi32> to vector<512x1xi32>
    %iota3A_9 = tpu.iota {dimensions = array<i32: 0>} : vector<512x1xi32>
    %mul3A = arith.constant 512 : i32
    %mul3A_10 = arith.muli %arg0, %mul3A : i32
    %add3A = vector.broadcast %mul3A_10 : i32 to vector<512x1xi32>
    %add3A_11 = arith.addi %iota3A_9, %add3A : vector<512x1xi32>
    %eq3A_12 = arith.cmpi eq, %broadcast_in_dim3A_8, %add3A_11 : vector<512x1xi32>
    %jit3A_13 = arith.constant -1 : i32
    %broadcast_in_dim3A_14 = vector.broadcast %jit3A_13 : i32 to vector<512x1xi32>
    %select_n3A_15 = arith.select %eq3A_12, %get3A_1, %broadcast_in_dim3A_14 : vector<512x1xi1>, vector<512x1xi32>
    %swap3A = arith.constant 0 : index
    %swap3A_16 = arith.constant 0 : index
    %swap3A_17 = vector.load %arg3[%swap3A, %swap3A_16] : memref<512x1xi32, #tpu.memory_space<vmem>>, vector<512x1xi32>
    tpu.vector_store %arg3[%swap3A, %swap3A_16], %select_n3A_15 {strides = array<i32>} : memref<512x1xi32, #tpu.memory_space<vmem>>, vector<512x1xi32>,
    return
  }
  func.func @transform_0(%arg0: i32) -> (i32, i32) {
    %c0_i32 = arith.constant 0 : i32
    %c0_i32_0 = arith.constant 0 : i32
    return %arg0, %c0_i32 : i32, i32
  }
  func.func @transform_1(%arg0: i32) -> (i32, i32) {
    %c0_i32 = arith.constant 0 : i32
    %c0_i32_0 = arith.constant 0 : i32
    %c0_i32_1 = arith.constant 0 : i32
    return %c0_i32, %c0_i32_0 : i32, i32
  }
  func.func @transform_2(%arg0: i32) -> (i32, i32) {
    %c0_i32 = arith.constant 0 : i32
    %c0_i32_0 = arith.constant 0 : i32
    return %arg0, %c0_i32 : i32, i32
  }
}

module attributes {stable_mosaic.version = 14 : i64} {
  func.func @_seg_body(%arg0: i32, %arg1: memref<2048x128xi32, #tpu.memory_space<vmem>>, %arg2: memref<1x1x2048xi32, #tpu.memory_space<vmem>>, %arg3: memref<2048x1xi32, #tpu.memory_space<vmem>>, %arg4: memref<64x8xf32, #tpu.memory_space<vmem>>, %arg5: memref<2048x520xf32, #tpu.memory_space<vmem>>) attributes {dimension_semantics = [#tpu.dimension_semantics<arbitrary>], iteration_bounds = array<i64: 80>, scalar_prefetch = 0 : i64, scratch_operands = 0 : i64, tpu.core_type = #tpu.core_type<tc>, window_params = [{transform_indices = @transform_0, window_bounds = array<i64: 2048, 128>}, {transform_indices = @transform_1, window_bounds = array<i64: 1, 1, 2048>}, {pipeline_mode = #tpu.pipeline_mode<synchronous>, transform_indices = @transform_2, window_bounds = array<i64: 2048, 1>}, {pipeline_mode = #tpu.pipeline_mode<synchronous>, transform_indices = @transform_3, window_bounds = array<i64: 64, 8>}, {pipeline_mode = #tpu.pipeline_mode<synchronous>, transform_indices = @transform_4, window_bounds = array<i64: 2048, 520>}]} {
    %eq3A = arith.constant 0 : i32
    %eq3A_0 = arith.cmpi eq, %arg0, %eq3A : i32
    %convert_element_type3A = arith.extui %eq3A_0 : i1 to i32
    %cond3A = arith.constant 0 : i32
    %cond3A_1 = arith.cmpi ne, %convert_element_type3A, %cond3A : i32
    scf.if %cond3A_1 {
      %broadcast_in_dim3A = arith.constant 0.000000e+00 : f32
      %broadcast_in_dim3A_89 = vector.broadcast %broadcast_in_dim3A : f32 to vector<2048x520xf32>
      %swap3A_90 = arith.constant 0 : index
      %swap3A_91 = arith.constant 0 : index
      %swap3A_92 = vector.load %arg5[%swap3A_90, %swap3A_91] : memref<2048x520xf32, #tpu.memory_space<vmem>>, vector<2048x520xf32>
      tpu.vector_store %arg5[%swap3A_90, %swap3A_91], %broadcast_in_dim3A_89 {strides = array<i32>} : memref<2048x520xf32, #tpu.memory_space<vmem>>, vector<2048x520xf32>,
    } else {
    }
    %get3A = arith.constant 0 : index
    %get3A_2 = arith.constant 0 : index
    %get3A_3 = vector.load %arg1[%get3A, %get3A_2] : memref<2048x128xi32, #tpu.memory_space<vmem>>, vector<2048x128xi32>
    %slice3A = vector.extract_strided_slice %get3A_3 {offsets = [0, 0], sizes = [2048, 32], strides = [1, 1]} : vector<2048x128xi32> to vector<2048x32xi32>
    %shift_left3A = arith.constant 16 : i32
    %shift_left3A_4 = vector.broadcast %shift_left3A : i32 to vector<2048x32xi32>
    %shift_left3A_5 = arith.shli %slice3A, %shift_left3A_4 : vector<2048x32xi32>
    %bitcast_convert_type3A = tpu.bitcast %shift_left3A_5 : vector<2048x32xi32> -> vector<2048x32xf32>
    %and3A = arith.constant -65536 : i32
    %and3A_6 = vector.broadcast %and3A : i32 to vector<2048x32xi32>
    %and3A_7 = arith.andi %slice3A, %and3A_6 : vector<2048x32xi32>
    %bitcast_convert_type3A_8 = tpu.bitcast %and3A_7 : vector<2048x32xi32> -> vector<2048x32xf32>
    %slice3A_9 = vector.extract_strided_slice %get3A_3 {offsets = [0, 32], sizes = [2048, 32], strides = [1, 1]} : vector<2048x128xi32> to vector<2048x32xi32>
    %shift_left3A_10 = arith.constant 16 : i32
    %shift_left3A_11 = vector.broadcast %shift_left3A_10 : i32 to vector<2048x32xi32>
    %shift_left3A_12 = arith.shli %slice3A_9, %shift_left3A_11 : vector<2048x32xi32>
    %bitcast_convert_type3A_13 = tpu.bitcast %shift_left3A_12 : vector<2048x32xi32> -> vector<2048x32xf32>
    %and3A_14 = arith.constant -65536 : i32
    %and3A_15 = vector.broadcast %and3A_14 : i32 to vector<2048x32xi32>
    %and3A_16 = arith.andi %slice3A_9, %and3A_15 : vector<2048x32xi32>
    %bitcast_convert_type3A_17 = tpu.bitcast %and3A_16 : vector<2048x32xi32> -> vector<2048x32xf32>
    %slice3A_18 = vector.extract_strided_slice %get3A_3 {offsets = [0, 64], sizes = [2048, 32], strides = [1, 1]} : vector<2048x128xi32> to vector<2048x32xi32>
    %shift_left3A_19 = arith.constant 16 : i32
    %shift_left3A_20 = vector.broadcast %shift_left3A_19 : i32 to vector<2048x32xi32>
    %shift_left3A_21 = arith.shli %slice3A_18, %shift_left3A_20 : vector<2048x32xi32>
    %bitcast_convert_type3A_22 = tpu.bitcast %shift_left3A_21 : vector<2048x32xi32> -> vector<2048x32xf32>
    %and3A_23 = arith.constant -65536 : i32
    %and3A_24 = vector.broadcast %and3A_23 : i32 to vector<2048x32xi32>
    %and3A_25 = arith.andi %slice3A_18, %and3A_24 : vector<2048x32xi32>
    %bitcast_convert_type3A_26 = tpu.bitcast %and3A_25 : vector<2048x32xi32> -> vector<2048x32xf32>
    %add3A = arith.addf %bitcast_convert_type3A, %bitcast_convert_type3A_13 : vector<2048x32xf32>
    %add3A_27 = arith.addf %add3A, %bitcast_convert_type3A_22 : vector<2048x32xf32>
    %add3A_28 = arith.addf %bitcast_convert_type3A_8, %bitcast_convert_type3A_17 : vector<2048x32xf32>
    %add3A_29 = arith.addf %add3A_28, %bitcast_convert_type3A_26 : vector<2048x32xf32>
    %concatenate3A = tpu.concatenate %add3A_27, %add3A_29 in 1 : vector<2048x32xf32>, vector<2048x32xf32> -> vector<2048x64xf32>
    %mul3A = arith.constant 0.333333343 : f32
    %mul3A_30 = vector.broadcast %mul3A : f32 to vector<2048x64xf32>
    %mul3A_31 = arith.mulf %concatenate3A, %mul3A_30 : vector<2048x64xf32>
    %get3A_32 = arith.constant 0 : index
    %get3A_33 = arith.constant 0 : index
    %get3A_34 = vector.load %arg4[%get3A_32, %get3A_33] : memref<64x8xf32, #tpu.memory_space<vmem>>, vector<64x8xf32>
    %dot_general3A = arith.constant dense<0.000000e+00> : vector<2048x8xf32>
    %dot_general3A_35 = tpu.matmul %mul3A_31, %get3A_34, %dot_general3A {dimension_numbers = #tpu.dot_dimension_numbers<[1], [0], [0], [1], [0, 0, 1, 1], [], []>, precision = #tpu.contract_precision<fp32>, transpose_lhs_hint = false} : vector<2048x64xf32>, vector<64x8xf32>, vector<2048x8xf32> -> vector<2048x8xf32>
    %ge3A = arith.constant 0.000000e+00 : f32
    %ge3A_36 = vector.broadcast %ge3A : f32 to vector<2048x8xf32>
    %ge3A_37 = arith.cmpf oge, %dot_general3A_35, %ge3A_36 : vector<2048x8xf32>
    %mul3A_38 = arith.constant 2.000000e-01 : f32
    %mul3A_39 = vector.broadcast %mul3A_38 : f32 to vector<2048x8xf32>
    %mul3A_40 = arith.mulf %mul3A_39, %dot_general3A_35 : vector<2048x8xf32>
    %select_n3A = arith.select %ge3A_37, %dot_general3A_35, %mul3A_40 : vector<2048x8xi1>, vector<2048x8xf32>
    %exp3A = math.exp %select_n3A : vector<2048x8xf32>
    %slice3A_41 = vector.extract_strided_slice %exp3A {offsets = [0, 0], sizes = [2048, 1], strides = [1, 1]} : vector<2048x8xf32> to vector<2048x1xf32>
    %mul3A_42 = vector.broadcast %slice3A_41 : vector<2048x1xf32> to vector<2048x64xf32>
    %mul3A_43 = arith.mulf %mul3A_31, %mul3A_42 : vector<2048x64xf32>
    %slice3A_44 = vector.extract_strided_slice %exp3A {offsets = [0, 1], sizes = [2048, 1], strides = [1, 1]} : vector<2048x8xf32> to vector<2048x1xf32>
    %mul3A_45 = vector.broadcast %slice3A_44 : vector<2048x1xf32> to vector<2048x64xf32>
    %mul3A_46 = arith.mulf %mul3A_31, %mul3A_45 : vector<2048x64xf32>
    %slice3A_47 = vector.extract_strided_slice %exp3A {offsets = [0, 2], sizes = [2048, 1], strides = [1, 1]} : vector<2048x8xf32> to vector<2048x1xf32>
    %mul3A_48 = vector.broadcast %slice3A_47 : vector<2048x1xf32> to vector<2048x64xf32>
    %mul3A_49 = arith.mulf %mul3A_31, %mul3A_48 : vector<2048x64xf32>
    %slice3A_50 = vector.extract_strided_slice %exp3A {offsets = [0, 3], sizes = [2048, 1], strides = [1, 1]} : vector<2048x8xf32> to vector<2048x1xf32>
    %mul3A_51 = vector.broadcast %slice3A_50 : vector<2048x1xf32> to vector<2048x64xf32>
    %mul3A_52 = arith.mulf %mul3A_31, %mul3A_51 : vector<2048x64xf32>
    %slice3A_53 = vector.extract_strided_slice %exp3A {offsets = [0, 4], sizes = [2048, 1], strides = [1, 1]} : vector<2048x8xf32> to vector<2048x1xf32>
    %mul3A_54 = vector.broadcast %slice3A_53 : vector<2048x1xf32> to vector<2048x64xf32>
    %mul3A_55 = arith.mulf %mul3A_31, %mul3A_54 : vector<2048x64xf32>
    %slice3A_56 = vector.extract_strided_slice %exp3A {offsets = [0, 5], sizes = [2048, 1], strides = [1, 1]} : vector<2048x8xf32> to vector<2048x1xf32>
    %mul3A_57 = vector.broadcast %slice3A_56 : vector<2048x1xf32> to vector<2048x64xf32>
    %mul3A_58 = arith.mulf %mul3A_31, %mul3A_57 : vector<2048x64xf32>
    %slice3A_59 = vector.extract_strided_slice %exp3A {offsets = [0, 6], sizes = [2048, 1], strides = [1, 1]} : vector<2048x8xf32> to vector<2048x1xf32>
    %mul3A_60 = vector.broadcast %slice3A_59 : vector<2048x1xf32> to vector<2048x64xf32>
    %mul3A_61 = arith.mulf %mul3A_31, %mul3A_60 : vector<2048x64xf32>
    %slice3A_62 = vector.extract_strided_slice %exp3A {offsets = [0, 7], sizes = [2048, 1], strides = [1, 1]} : vector<2048x8xf32> to vector<2048x1xf32>
    %mul3A_63 = vector.broadcast %slice3A_62 : vector<2048x1xf32> to vector<2048x64xf32>
    %mul3A_64 = arith.mulf %mul3A_31, %mul3A_63 : vector<2048x64xf32>
    %concatenate3A_65 = tpu.concatenate %mul3A_43, %mul3A_46, %mul3A_49, %mul3A_52, %mul3A_55, %mul3A_58, %mul3A_61, %mul3A_64, %exp3A in 1 : vector<2048x64xf32>, vector<2048x64xf32>, vector<2048x64xf32>, vector<2048x64xf32>, vector<2048x64xf32>, vector<2048x64xf32>, vector<2048x64xf32>, vector<2048x64xf32>, vector<2048x8xf32> -> vector<2048x520xf32>
    %get3A_66 = arith.constant 0 : index
    %get3A_67 = arith.constant 0 : index
    %get3A_68 = vector.load %arg3[%get3A_66, %get3A_67] : memref<2048x1xi32, #tpu.memory_space<vmem>>, vector<2048x1xi32>
    %get3A_69 = arith.constant 0 : index
    %get3A_70 = arith.constant 0 : index
    %get3A_71 = arith.constant 0 : index
    %get3A_72 = vector.load %arg2[%get3A_69, %get3A_70, %get3A_71] : memref<1x1x2048xi32, #tpu.memory_space<vmem>>, vector<1x1x2048xi32>
    %get3A_73 = vector.shape_cast %get3A_72 : vector<1x1x2048xi32> to vector<1x2048xi32>
    %eq3A_74 = vector.broadcast %get3A_68 : vector<2048x1xi32> to vector<2048x2048xi32>
    %eq3A_75 = vector.broadcast %get3A_73 : vector<1x2048xi32> to vector<2048x2048xi32>
    %eq3A_76 = arith.cmpi eq, %eq3A_74, %eq3A_75 : vector<2048x2048xi32>
    %convert_element_type3A_77 = arith.extui %eq3A_76 : vector<2048x2048xi1> to vector<2048x2048xi32>
    %convert_element_type3A_78 = arith.sitofp %convert_element_type3A_77 : vector<2048x2048xi32> to vector<2048x2048xf32>
    %convert_element_type3A_79 = arith.truncf %convert_element_type3A_78 : vector<2048x2048xf32> to vector<2048x2048xbf16>
    %get3A_80 = arith.constant 0 : index
    %get3A_81 = arith.constant 0 : index
    %get3A_82 = vector.load %arg5[%get3A_80, %get3A_81] : memref<2048x520xf32, #tpu.memory_space<vmem>>, vector<2048x520xf32>
    %convert_element_type3A_83 = arith.truncf %concatenate3A_65 : vector<2048x520xf32> to vector<2048x520xbf16>
    %dot_general3A_84 = arith.constant dense<0.000000e+00> : vector<2048x520xf32>
    %dot_general3A_85 = tpu.matmul %convert_element_type3A_79, %convert_element_type3A_83, %dot_general3A_84 {dimension_numbers = #tpu.dot_dimension_numbers<[1], [0], [0], [1], [0, 0, 1, 1], [], []>, transpose_lhs_hint = false} : vector<2048x2048xbf16>, vector<2048x520xbf16>, vector<2048x520xf32> -> vector<2048x520xf32>
    %add3A_86 = arith.addf %get3A_82, %dot_general3A_85 : vector<2048x520xf32>
    %swap3A = arith.constant 0 : index
    %swap3A_87 = arith.constant 0 : index
    %swap3A_88 = vector.load %arg5[%swap3A, %swap3A_87] : memref<2048x520xf32, #tpu.memory_space<vmem>>, vector<2048x520xf32>
    tpu.vector_store %arg5[%swap3A, %swap3A_87], %add3A_86 {strides = array<i32>} : memref<2048x520xf32, #tpu.memory_space<vmem>>, vector<2048x520xf32>,
    return
  }
  func.func @transform_0(%arg0: i32) -> (i32, i32) {
    %c0_i32 = arith.constant 0 : i32
    %c0_i32_0 = arith.constant 0 : i32
    return %arg0, %c0_i32 : i32, i32
  }
  func.func @transform_1(%arg0: i32) -> (i32, i32, i32) {
    %c0_i32 = arith.constant 0 : i32
    %c0_i32_0 = arith.constant 0 : i32
    %c0_i32_1 = arith.constant 0 : i32
    return %arg0, %c0_i32, %c0_i32_0 : i32, i32, i32
  }
  func.func @transform_2(%arg0: i32) -> (i32, i32) {
    %c0_i32 = arith.constant 0 : i32
    %c0_i32_0 = arith.constant 0 : i32
    %c0_i32_1 = arith.constant 0 : i32
    return %c0_i32, %c0_i32_0 : i32, i32
  }
  func.func @transform_3(%arg0: i32) -> (i32, i32) {
    %c0_i32 = arith.constant 0 : i32
    %c0_i32_0 = arith.constant 0 : i32
    %c0_i32_1 = arith.constant 0 : i32
    return %c0_i32, %c0_i32_0 : i32, i32
  }
  func.func @transform_4(%arg0: i32) -> (i32, i32) {
    %c0_i32 = arith.constant 0 : i32
    %c0_i32_0 = arith.constant 0 : i32
    %c0_i32_1 = arith.constant 0 : i32
    return %c0_i32, %c0_i32_0 : i32, i32
  }
}

module attributes {stable_mosaic.version = 14 : i64} {
  func.func @_slotgather_body(%arg0: memref<2048x520xf32, #tpu.memory_space<vmem>>, %arg1: memref<1x2048xi32, #tpu.memory_space<vmem>>, %arg2: memref<2048x1xi32, #tpu.memory_space<vmem>>, %arg3: memref<2000x512xf32, #tpu.memory_space<vmem>>) attributes {dimension_semantics = [], scalar_prefetch = 0 : i64, scratch_operands = 0 : i64, tpu.core_type = #tpu.core_type<tc>} {
    %get3A = arith.constant 0 : index
    %get3A_0 = arith.constant 0 : index
    %get3A_1 = vector.load %arg0[%get3A, %get3A_0] : memref<2048x520xf32, #tpu.memory_space<vmem>>, vector<2048x520xf32>
    %slice3A = vector.extract_strided_slice %get3A_1 {offsets = [0, 0], sizes = [2048, 64], strides = [1, 1]} : vector<2048x520xf32> to vector<2048x64xf32>
    %slice3A_2 = vector.extract_strided_slice %get3A_1 {offsets = [0, 512], sizes = [2048, 1], strides = [1, 1]} : vector<2048x520xf32> to vector<2048x1xf32>
    %add3A = arith.constant 9.99999971E-10 : f32
    %add3A_3 = vector.broadcast %add3A : f32 to vector<2048x1xf32>
    %add3A_4 = arith.addf %slice3A_2, %add3A_3 : vector<2048x1xf32>
    %div3A = vector.broadcast %add3A_4 : vector<2048x1xf32> to vector<2048x64xf32>
    %div3A_5 = arith.divf %slice3A, %div3A : vector<2048x64xf32>
    %slice3A_6 = vector.extract_strided_slice %get3A_1 {offsets = [0, 64], sizes = [2048, 64], strides = [1, 1]} : vector<2048x520xf32> to vector<2048x64xf32>
    %slice3A_7 = vector.extract_strided_slice %get3A_1 {offsets = [0, 513], sizes = [2048, 1], strides = [1, 1]} : vector<2048x520xf32> to vector<2048x1xf32>
    %add3A_8 = arith.constant 9.99999971E-10 : f32
    %add3A_9 = vector.broadcast %add3A_8 : f32 to vector<2048x1xf32>
    %add3A_10 = arith.addf %slice3A_7, %add3A_9 : vector<2048x1xf32>
    %div3A_11 = vector.broadcast %add3A_10 : vector<2048x1xf32> to vector<2048x64xf32>
    %div3A_12 = arith.divf %slice3A_6, %div3A_11 : vector<2048x64xf32>
    %slice3A_13 = vector.extract_strided_slice %get3A_1 {offsets = [0, 128], sizes = [2048, 64], strides = [1, 1]} : vector<2048x520xf32> to vector<2048x64xf32>
    %slice3A_14 = vector.extract_strided_slice %get3A_1 {offsets = [0, 514], sizes = [2048, 1], strides = [1, 1]} : vector<2048x520xf32> to vector<2048x1xf32>
    %add3A_15 = arith.constant 9.99999971E-10 : f32
    %add3A_16 = vector.broadcast %add3A_15 : f32 to vector<2048x1xf32>
    %add3A_17 = arith.addf %slice3A_14, %add3A_16 : vector<2048x1xf32>
    %div3A_18 = vector.broadcast %add3A_17 : vector<2048x1xf32> to vector<2048x64xf32>
    %div3A_19 = arith.divf %slice3A_13, %div3A_18 : vector<2048x64xf32>
    %slice3A_20 = vector.extract_strided_slice %get3A_1 {offsets = [0, 192], sizes = [2048, 64], strides = [1, 1]} : vector<2048x520xf32> to vector<2048x64xf32>
    %slice3A_21 = vector.extract_strided_slice %get3A_1 {offsets = [0, 515], sizes = [2048, 1], strides = [1, 1]} : vector<2048x520xf32> to vector<2048x1xf32>
    %add3A_22 = arith.constant 9.99999971E-10 : f32
    %add3A_23 = vector.broadcast %add3A_22 : f32 to vector<2048x1xf32>
    %add3A_24 = arith.addf %slice3A_21, %add3A_23 : vector<2048x1xf32>
    %div3A_25 = vector.broadcast %add3A_24 : vector<2048x1xf32> to vector<2048x64xf32>
    %div3A_26 = arith.divf %slice3A_20, %div3A_25 : vector<2048x64xf32>
    %slice3A_27 = vector.extract_strided_slice %get3A_1 {offsets = [0, 256], sizes = [2048, 64], strides = [1, 1]} : vector<2048x520xf32> to vector<2048x64xf32>
    %slice3A_28 = vector.extract_strided_slice %get3A_1 {offsets = [0, 516], sizes = [2048, 1], strides = [1, 1]} : vector<2048x520xf32> to vector<2048x1xf32>
    %add3A_29 = arith.constant 9.99999971E-10 : f32
    %add3A_30 = vector.broadcast %add3A_29 : f32 to vector<2048x1xf32>
    %add3A_31 = arith.addf %slice3A_28, %add3A_30 : vector<2048x1xf32>
    %div3A_32 = vector.broadcast %add3A_31 : vector<2048x1xf32> to vector<2048x64xf32>
    %div3A_33 = arith.divf %slice3A_27, %div3A_32 : vector<2048x64xf32>
    %slice3A_34 = vector.extract_strided_slice %get3A_1 {offsets = [0, 320], sizes = [2048, 64], strides = [1, 1]} : vector<2048x520xf32> to vector<2048x64xf32>
    %slice3A_35 = vector.extract_strided_slice %get3A_1 {offsets = [0, 517], sizes = [2048, 1], strides = [1, 1]} : vector<2048x520xf32> to vector<2048x1xf32>
    %add3A_36 = arith.constant 9.99999971E-10 : f32
    %add3A_37 = vector.broadcast %add3A_36 : f32 to vector<2048x1xf32>
    %add3A_38 = arith.addf %slice3A_35, %add3A_37 : vector<2048x1xf32>
    %div3A_39 = vector.broadcast %add3A_38 : vector<2048x1xf32> to vector<2048x64xf32>
    %div3A_40 = arith.divf %slice3A_34, %div3A_39 : vector<2048x64xf32>
    %slice3A_41 = vector.extract_strided_slice %get3A_1 {offsets = [0, 384], sizes = [2048, 64], strides = [1, 1]} : vector<2048x520xf32> to vector<2048x64xf32>
    %slice3A_42 = vector.extract_strided_slice %get3A_1 {offsets = [0, 518], sizes = [2048, 1], strides = [1, 1]} : vector<2048x520xf32> to vector<2048x1xf32>
    %add3A_43 = arith.constant 9.99999971E-10 : f32
    %add3A_44 = vector.broadcast %add3A_43 : f32 to vector<2048x1xf32>
    %add3A_45 = arith.addf %slice3A_42, %add3A_44 : vector<2048x1xf32>
    %div3A_46 = vector.broadcast %add3A_45 : vector<2048x1xf32> to vector<2048x64xf32>
    %div3A_47 = arith.divf %slice3A_41, %div3A_46 : vector<2048x64xf32>
    %slice3A_48 = vector.extract_strided_slice %get3A_1 {offsets = [0, 448], sizes = [2048, 64], strides = [1, 1]} : vector<2048x520xf32> to vector<2048x64xf32>
    %slice3A_49 = vector.extract_strided_slice %get3A_1 {offsets = [0, 519], sizes = [2048, 1], strides = [1, 1]} : vector<2048x520xf32> to vector<2048x1xf32>
    %add3A_50 = arith.constant 9.99999971E-10 : f32
    %add3A_51 = vector.broadcast %add3A_50 : f32 to vector<2048x1xf32>
    %add3A_52 = arith.addf %slice3A_49, %add3A_51 : vector<2048x1xf32>
    %div3A_53 = vector.broadcast %add3A_52 : vector<2048x1xf32> to vector<2048x64xf32>
    %div3A_54 = arith.divf %slice3A_48, %div3A_53 : vector<2048x64xf32>
    %concatenate3A = tpu.concatenate %div3A_5, %div3A_12, %div3A_19, %div3A_26, %div3A_33, %div3A_40, %div3A_47, %div3A_54 in 1 : vector<2048x64xf32>, vector<2048x64xf32>, vector<2048x64xf32>, vector<2048x64xf32>, vector<2048x64xf32>, vector<2048x64xf32>, vector<2048x64xf32>, vector<2048x64xf32> -> vector<2048x512xf32>
    %get3A_55 = arith.constant 0 : index
    %get3A_56 = arith.constant 0 : index
    %get3A_57 = vector.load %arg2[%get3A_55, %get3A_56] : memref<2048x1xi32, #tpu.memory_space<vmem>>, vector<2048x1xi32>
    %get3A_58 = arith.constant 0 : index
    %get3A_59 = arith.constant 0 : index
    %get3A_60 = vector.load %arg1[%get3A_58, %get3A_59] : memref<1x2048xi32, #tpu.memory_space<vmem>>, vector<1x2048xi32>
    %eq3A = vector.broadcast %get3A_57 : vector<2048x1xi32> to vector<2048x2048xi32>
    %eq3A_61 = vector.broadcast %get3A_60 : vector<1x2048xi32> to vector<2048x2048xi32>
    %eq3A_62 = arith.cmpi eq, %eq3A, %eq3A_61 : vector<2048x2048xi32>
    %convert_element_type3A = arith.extui %eq3A_62 : vector<2048x2048xi1> to vector<2048x2048xi32>
    %convert_element_type3A_63 = arith.sitofp %convert_element_type3A : vector<2048x2048xi32> to vector<2048x2048xf32>
    %dot_general3A = arith.constant dense<0.000000e+00> : vector<2048x512xf32>
    %dot_general3A_64 = tpu.matmul %convert_element_type3A_63, %concatenate3A, %dot_general3A {dimension_numbers = #tpu.dot_dimension_numbers<[1], [0], [0], [1], [0, 0, 1, 1], [], []>, precision = #tpu.contract_precision<fp32>, transpose_lhs_hint = false} : vector<2048x2048xf32>, vector<2048x512xf32>, vector<2048x512xf32> -> vector<2048x512xf32>
    %slice3A_65 = vector.extract_strided_slice %dot_general3A_64 {offsets = [0, 0], sizes = [2000, 512], strides = [1, 1]} : vector<2048x512xf32> to vector<2000x512xf32>
    %gt3A = arith.constant 0.000000e+00 : f32
    %gt3A_66 = vector.broadcast %gt3A : f32 to vector<2000x512xf32>
    %gt3A_67 = arith.cmpf ogt, %slice3A_65, %gt3A_66 : vector<2000x512xf32>
    %min3A = arith.constant 0.000000e+00 : f32
    %min3A_68 = vector.broadcast %min3A : f32 to vector<2000x512xf32>
    %min3A_69 = arith.minimumf %slice3A_65, %min3A_68 : vector<2000x512xf32>
    %exp3A = math.exp %min3A_69 : vector<2000x512xf32>
    %sub3A = arith.constant 1.000000e+00 : f32
    %sub3A_70 = vector.broadcast %sub3A : f32 to vector<2000x512xf32>
    %sub3A_71 = arith.subf %exp3A, %sub3A_70 : vector<2000x512xf32>
    %select_n3A = arith.select %gt3A_67, %slice3A_65, %sub3A_71 : vector<2000x512xi1>, vector<2000x512xf32>
    %swap3A = arith.constant 0 : index
    %swap3A_72 = arith.constant 0 : index
    %swap3A_73 = vector.load %arg3[%swap3A, %swap3A_72] : memref<2000x512xf32, #tpu.memory_space<vmem>>, vector<2000x512xf32>
    tpu.vector_store %arg3[%swap3A, %swap3A_72], %select_n3A {strides = array<i32>} : memref<2000x512xf32, #tpu.memory_space<vmem>>, vector<2000x512xf32>,
    return
  }
}

module attributes {stable_mosaic.version = 14 : i64} {
  func.func @_fin_body(%arg0: memref<2000x512xf32, #tpu.memory_space<vmem>>, %arg1: memref<2000x512xf32, #tpu.memory_space<vmem>>, %arg2: memref<512x128xf32, #tpu.memory_space<vmem>>, %arg3: memref<1x128xf32, #tpu.memory_space<vmem>>, %arg4: memref<128x1xf32, #tpu.memory_space<vmem>>, %arg5: memref<1x1xf32, #tpu.memory_space<vmem>>, %arg6: memref<512x3xf32, #tpu.memory_space<vmem>>, %arg7: memref<1x3xf32, #tpu.memory_space<vmem>>, %arg8: memref<2000x3xf32, #tpu.memory_space<vmem>>, %arg9: memref<2000x512xf32, #tpu.memory_space<vmem>>) attributes {dimension_semantics = [], scalar_prefetch = 0 : i64, scratch_operands = 0 : i64, tpu.core_type = #tpu.core_type<tc>} {
    %get3A = arith.constant 0 : index
    %get3A_0 = arith.constant 0 : index
    %get3A_1 = vector.load %arg0[%get3A, %get3A_0] : memref<2000x512xf32, #tpu.memory_space<vmem>>, vector<2000x512xf32>
    %get3A_2 = arith.constant 0 : index
    %get3A_3 = arith.constant 0 : index
    %get3A_4 = vector.load %arg1[%get3A_2, %get3A_3] : memref<2000x512xf32, #tpu.memory_space<vmem>>, vector<2000x512xf32>
    %get3A_5 = arith.constant 0 : index
    %get3A_6 = arith.constant 0 : index
    %get3A_7 = vector.load %arg2[%get3A_5, %get3A_6] : memref<512x128xf32, #tpu.memory_space<vmem>>, vector<512x128xf32>
    %dot_general3A = arith.constant dense<0.000000e+00> : vector<2000x128xf32>
    %dot_general3A_8 = tpu.matmul %get3A_1, %get3A_7, %dot_general3A {dimension_numbers = #tpu.dot_dimension_numbers<[1], [0], [0], [1], [0, 0, 1, 1], [], []>, precision = #tpu.contract_precision<fp32>, transpose_lhs_hint = false} : vector<2000x512xf32>, vector<512x128xf32>, vector<2000x128xf32> -> vector<2000x128xf32>
    %get3A_9 = arith.constant 0 : index
    %get3A_10 = arith.constant 0 : index
    %get3A_11 = vector.load %arg3[%get3A_9, %get3A_10] : memref<1x128xf32, #tpu.memory_space<vmem>>, vector<1x128xf32>
    %add3A = vector.broadcast %get3A_11 : vector<1x128xf32> to vector<2000x128xf32>
    %add3A_12 = arith.addf %dot_general3A_8, %add3A : vector<2000x128xf32>
    %tanh3A = math.tanh %add3A_12 : vector<2000x128xf32>
    %get3A_13 = arith.constant 0 : index
    %get3A_14 = arith.constant 0 : index
    %get3A_15 = vector.load %arg4[%get3A_13, %get3A_14] : memref<128x1xf32, #tpu.memory_space<vmem>>, vector<128x1xf32>
    %dot_general3A_16 = arith.constant dense<0.000000e+00> : vector<2000x1xf32>
    %dot_general3A_17 = tpu.matmul %tanh3A, %get3A_15, %dot_general3A_16 {dimension_numbers = #tpu.dot_dimension_numbers<[1], [0], [0], [1], [0, 0, 1, 1], [], []>, precision = #tpu.contract_precision<fp32>, transpose_lhs_hint = false} : vector<2000x128xf32>, vector<128x1xf32>, vector<2000x1xf32> -> vector<2000x1xf32>
    %get3A_18 = arith.constant 0 : index
    %get3A_19 = arith.constant 0 : index
    %get3A_20 = vector.load %arg5[%get3A_18, %get3A_19] : memref<1x1xf32, #tpu.memory_space<vmem>>, vector<1x1xf32>
    %add3A_21 = vector.broadcast %get3A_20 : vector<1x1xf32> to vector<2000x1xf32>
    %add3A_22 = arith.addf %dot_general3A_17, %add3A_21 : vector<2000x1xf32>
    %reduce_sum3A = vector.shape_cast %add3A_22 : vector<2000x1xf32> to vector<1x2000x1xf32>
    %reduce_sum3A_23 = arith.constant dense<0.000000e+00> : vector<1xf32>
    %reduce_sum3A_24 = vector.multi_reduction <add>, %reduce_sum3A, %reduce_sum3A_23 [1, 2] : vector<1x2000x1xf32> to vector<1xf32>
    %reduce_sum3A_25 = vector.shape_cast %reduce_sum3A_24 : vector<1xf32> to vector<1x1x1xf32>
    %reduce_sum3A_26 = vector.extract %reduce_sum3A_25[0, 0, 0] : f32 from vector<1x1x1xf32>
    %div3A = arith.constant 2.000000e+03 : f32
    %div3A_27 = arith.divf %reduce_sum3A_26, %div3A : f32
    %get3A_28 = arith.constant 0 : index
    %get3A_29 = arith.constant 0 : index
    %get3A_30 = vector.load %arg2[%get3A_28, %get3A_29] : memref<512x128xf32, #tpu.memory_space<vmem>>, vector<512x128xf32>
    %dot_general3A_31 = arith.constant dense<0.000000e+00> : vector<2000x128xf32>
    %dot_general3A_32 = tpu.matmul %get3A_4, %get3A_30, %dot_general3A_31 {dimension_numbers = #tpu.dot_dimension_numbers<[1], [0], [0], [1], [0, 0, 1, 1], [], []>, precision = #tpu.contract_precision<fp32>, transpose_lhs_hint = false} : vector<2000x512xf32>, vector<512x128xf32>, vector<2000x128xf32> -> vector<2000x128xf32>
    %get3A_33 = arith.constant 0 : index
    %get3A_34 = arith.constant 0 : index
    %get3A_35 = vector.load %arg3[%get3A_33, %get3A_34] : memref<1x128xf32, #tpu.memory_space<vmem>>, vector<1x128xf32>
    %add3A_36 = vector.broadcast %get3A_35 : vector<1x128xf32> to vector<2000x128xf32>
    %add3A_37 = arith.addf %dot_general3A_32, %add3A_36 : vector<2000x128xf32>
    %tanh3A_38 = math.tanh %add3A_37 : vector<2000x128xf32>
    %get3A_39 = arith.constant 0 : index
    %get3A_40 = arith.constant 0 : index
    %get3A_41 = vector.load %arg4[%get3A_39, %get3A_40] : memref<128x1xf32, #tpu.memory_space<vmem>>, vector<128x1xf32>
    %dot_general3A_42 = arith.constant dense<0.000000e+00> : vector<2000x1xf32>
    %dot_general3A_43 = tpu.matmul %tanh3A_38, %get3A_41, %dot_general3A_42 {dimension_numbers = #tpu.dot_dimension_numbers<[1], [0], [0], [1], [0, 0, 1, 1], [], []>, precision = #tpu.contract_precision<fp32>, transpose_lhs_hint = false} : vector<2000x128xf32>, vector<128x1xf32>, vector<2000x1xf32> -> vector<2000x1xf32>
    %get3A_44 = arith.constant 0 : index
    %get3A_45 = arith.constant 0 : index
    %get3A_46 = vector.load %arg5[%get3A_44, %get3A_45] : memref<1x1xf32, #tpu.memory_space<vmem>>, vector<1x1xf32>
    %add3A_47 = vector.broadcast %get3A_46 : vector<1x1xf32> to vector<2000x1xf32>
    %add3A_48 = arith.addf %dot_general3A_43, %add3A_47 : vector<2000x1xf32>
    %reduce_sum3A_49 = vector.shape_cast %add3A_48 : vector<2000x1xf32> to vector<1x2000x1xf32>
    %reduce_sum3A_50 = arith.constant dense<0.000000e+00> : vector<1xf32>
    %reduce_sum3A_51 = vector.multi_reduction <add>, %reduce_sum3A_49, %reduce_sum3A_50 [1, 2] : vector<1x2000x1xf32> to vector<1xf32>
    %reduce_sum3A_52 = vector.shape_cast %reduce_sum3A_51 : vector<1xf32> to vector<1x1x1xf32>
    %reduce_sum3A_53 = vector.extract %reduce_sum3A_52[0, 0, 0] : f32 from vector<1x1x1xf32>
    %div3A_54 = arith.constant 2.000000e+03 : f32
    %div3A_55 = arith.divf %reduce_sum3A_53, %div3A_54 : f32
    %max3A = arith.maximumf %div3A_27, %div3A_55 : f32
    %sub3A = arith.subf %div3A_27, %max3A : f32
    %exp3A = math.exp %sub3A : f32
    %sub3A_56 = arith.subf %div3A_55, %max3A : f32
    %exp3A_57 = math.exp %sub3A_56 : f32
    %add3A_58 = arith.addf %exp3A, %exp3A_57 : f32
    %div3A_59 = arith.divf %exp3A, %add3A_58 : f32
    %add3A_60 = arith.addf %exp3A, %exp3A_57 : f32
    %div3A_61 = arith.divf %exp3A_57, %add3A_60 : f32
    %mul3A = vector.broadcast %div3A_59 : f32 to vector<2000x512xf32>
    %mul3A_62 = arith.mulf %mul3A, %get3A_1 : vector<2000x512xf32>
    %mul3A_63 = vector.broadcast %div3A_61 : f32 to vector<2000x512xf32>
    %mul3A_64 = arith.mulf %mul3A_63, %get3A_4 : vector<2000x512xf32>
    %add3A_65 = arith.addf %mul3A_62, %mul3A_64 : vector<2000x512xf32>
    %swap3A = arith.constant 0 : index
    %swap3A_66 = arith.constant 0 : index
    %swap3A_67 = vector.load %arg9[%swap3A, %swap3A_66] : memref<2000x512xf32, #tpu.memory_space<vmem>>, vector<2000x512xf32>
    tpu.vector_store %arg9[%swap3A, %swap3A_66], %add3A_65 {strides = array<i32>} : memref<2000x512xf32, #tpu.memory_space<vmem>>, vector<2000x512xf32>,
    %get3A_68 = arith.constant 0 : index
    %get3A_69 = arith.constant 0 : index
    %get3A_70 = vector.load %arg6[%get3A_68, %get3A_69] : memref<512x3xf32, #tpu.memory_space<vmem>>, vector<512x3xf32>
    %dot_general3A_71 = arith.constant dense<0.000000e+00> : vector<2000x3xf32>
    %dot_general3A_72 = tpu.matmul %add3A_65, %get3A_70, %dot_general3A_71 {dimension_numbers = #tpu.dot_dimension_numbers<[1], [0], [0], [1], [0, 0, 1, 1], [], []>, precision = #tpu.contract_precision<fp32>, transpose_lhs_hint = false} : vector<2000x512xf32>, vector<512x3xf32>, vector<2000x3xf32> -> vector<2000x3xf32>
    %get3A_73 = arith.constant 0 : index
    %get3A_74 = arith.constant 0 : index
    %get3A_75 = vector.load %arg7[%get3A_73, %get3A_74] : memref<1x3xf32, #tpu.memory_space<vmem>>, vector<1x3xf32>
    %add3A_76 = vector.broadcast %get3A_75 : vector<1x3xf32> to vector<2000x3xf32>
    %add3A_77 = arith.addf %dot_general3A_72, %add3A_76 : vector<2000x3xf32>
    %swap3A_78 = arith.constant 0 : index
    %swap3A_79 = arith.constant 0 : index
    %swap3A_80 = vector.load %arg8[%swap3A_78, %swap3A_79] : memref<2000x3xf32, #tpu.memory_space<vmem>>, vector<2000x3xf32>
    tpu.vector_store %arg8[%swap3A_78, %swap3A_79], %add3A_77 {strides = array<i32>} : memref<2000x3xf32, #tpu.memory_space<vmem>>, vector<2000x3xf32>,
    return
  }
}

</mosaic_0001>

<sc_bundles>
// kernel: kernel.12.cloned.1.call-start
scs
__scs_entry_jumppad:
0x0: {  	(pc) =	sbr.rel $0x88, $3  }
0x1: {  	(tag) =	ssettag $0x0;
	lr =	simm.s32 $0x1  }
0x2: {  	[smem:$0x3F8B] =	sst lr;
	_ =	strace $0xD0000000  }
0x3: {  	_ = 	snop  }
0x4: {  	_ = 	snop  }
0x5: {  	_ = 	snop  }
0x6: {  	_ = 	snop  }
0x7: {  	_ = 	snop  }
__scs_overlays_trampoline_lowered:
0x8: {  	[smem:$0x3F9A] =	sst s0  }
0x9: {  	[smem:$0x3F9B] =	sst s1  }
0xa: {  	[smem:$0x3F9C] =	sst s2  }
0xb: {  	[smem:$0x3F9D] =	sst s3  }
0xc: {  	[smem:$0x3F9E] =	sst s4  }
0xd: {  	[smem:$0x3F9F] =	sst s5  }
0xe: {  	[smem:$0x3FA0] =	sst s6  }
0xf: {  	[smem:$0x3FA1] =	sst s7  }
0x10: {  	[smem:$0x3FA2] =	sst s8  }
0x11: {  	[smem:$0x3FA3] =	sst s9;
	s0 =	simm.s32 @!p0 $0x0  }
0x12: {  	s1 =	sld [smem:$0x3F89];
	s0 =	simm.s32 @p0 $0x1  }
0x13: {  	[smem:$0x3FA4] =	sst s0;
	s0 =	simm.s32 @!p1 $0x0  }
0x14: {  	s2 =	sld [smem:$0x3F88];
	s0 =	simm.s32 @p1 $0x1  }
0x15: {  	[smem:$0x3FA5] =	sst s0;
	s0 =	simm.s32 @!p2 $0x0  }
0x16: {  	s3 =	sld [smem:$0x3FDB];
	s0 =	simm.s32 @p2 $0x1  }
0x17: {  	s4 =	simm.s32 $0x1BF5;
	[smem:$0x3FA7] =	sst s0  }
0x18: {  	s0 =	sld [smem:$0x3F8A];
	_ =	swait.ge [sflag:s4], $0x0  }
0x19: {  	s7 =	sld [smem:$0x3F8B]  }
0x1a: {  	s8 =	sadd.s32 $0xFFFFE003, lr  }
0x1b: {  	s9 =	sadd.s32 $0xFFFFFEF7, lr;
	s5 =	simm.s32 $0xFFFFFFFF;
	p2 =	slt.u32 s8, $0xFFFFF086  }
0x1c: {  	p1 =	slt.u32 s9, $0xF7A;
	s5 =	simm.s32 @!p2 $0x0  }
0x1d: {  	s5 =	simm.s32 @p1 $0x1;
	p0 =	seq.s32 s7, s2  }
0x1e: {  	s7 =	smul.u32 @!p0 $0xF7A, s2;
	p2 =	seq.s32 @!p0 s5, $0x0  }
0x1f: {  	s9 =	smul.u32 $0xF7A, s1;
	s8 =	simm.s32 @!p0 $0x1BF5;
	p2 =	por !p2, p0  }
0x20: {  	[sflag:s8] =	ssyncset.s32 @!p0 $0xFFFFF086;
	s6 =	sadd.s32 @!p0 s3, s7;
	s7 =	simm.s32 @!p0 $0x108  }
0x21: {  	s3 =	sadd.s32 s3, s9;
	s6 =	sadd.s32 @!p0 $0x88, s6;
	s7 =	simm.s32 @p2 $0x1082  }
0x22: {  	[simem:s7], [sflag:s8] =	dma.local @!p0 [hbm:s6], $0xF7A  }
0x23: {  	s9 =	sor.u32 $0xD0000000, s2;
	s6 =	simm.s32 $0x108;
	_ =	swait.ge @!p0 [sflag:s8], $0x0  }
0x24: {  	s3 =	sadd.s32 $0x88, s3;
	s6 =	simm.s32 @!p1 $0x1082;
	[sflag:s4] =	ssyncset.s32 $0xFFFFF086  }
0x25: {  	[simem:s6], [sflag:s4] =	dma.local [hbm:s3], $0xF7A  }
0x26: {  	[smem:$0x3F8B] =	sst s1;
	(tag) =	ssettag s2;
	_ =	strace s9  }
0x27: {  	s1 =	sld [smem:$0x3F9B]  }
0x28: {  	s2 =	sld [smem:$0x3F9C]  }
0x29: {  	s4 =	sld [smem:$0x3F9E]  }
0x2a: {  	p0 =	seq.s32 s5, $0x0;
	s5 =	sld [smem:$0x3F9F]  }
0x2b: {  	s6 =	sld [smem:$0x3FA0]  }
0x2c: {  	s7 =	sld [smem:$0x3FA1]  }
0x2d: {  	s3 =	simm.s32 $0x108;
	s8 =	sld [smem:$0x3FA2]  }
0x2e: {  	s3 =	simm.s32 @!p0 $0x1082;
	s9 =	sld [smem:$0x3FA3]  }
0x2f: {  	lr =	sadd.s32 s0, s3;
	s0 =	sld [smem:$0x3F9A]  }
0x30: {  	s3 =	sld [smem:$0x3F9D]  }
0x31: {  	[smem:$0x3FA6] =	sst s10  }
0x32: {  	s10 =	sld [smem:$0x3FA4];
	_ =	sdelay $0x3  }
0x33: {  	p0 =	seq.s32 s10, $0x1;
	s10 =	sld [smem:$0x3FA6];
	_ =	sdelay $0x3  }
0x34: {  	[smem:$0x3FA6] =	sst s10  }
0x35: {  	s10 =	sld [smem:$0x3FA5];
	_ =	sdelay $0x3  }
0x36: {  	p1 =	seq.s32 s10, $0x1;
	s10 =	sld [smem:$0x3FA6];
	_ =	sdelay $0x3  }
0x37: {  	[smem:$0x3FA6] =	sst s10  }
0x38: {  	s10 =	sld [smem:$0x3FA7]  }
0x39: {  	_ = 	snop;
	(pc) =	sbr.ind lr, $3  }
0x3a: {  	_ = 	snop  }
0x3b: {  	_ = 	snop  }
0x3c: {  	p2 =	seq.s32 s10, $0x1;
	s10 =	sld [smem:$0x3FA6]  }
0x3d: {  	_ =	shalt  }
0x3e: {  	_ =	shalt  }
0x3f: {  	_ =	shalt  }
0x40: {  	_ =	shalt  }
0x41: {  	_ =	shalt  }
0x42: {  	_ =	shalt  }
0x43: {  	_ =	shalt  }
0x44: {  	_ =	shalt  }
0x45: {  	_ =	shalt  }
0x46: {  	_ =	shalt  }
0x47: {  	_ =	shalt  }
0x48: {  	_ =	shalt  }
0x49: {  	_ =	shalt  }
0x4a: {  	_ =	shalt  }
0x4b: {  	_ =	shalt  }
0x4c: {  	_ =	shalt  }
0x4d: {  	_ =	shalt  }
0x4e: {  	_ =	shalt  }
0x4f: {  	_ =	shalt  }
0x50: {  	_ =	shalt  }
0x51: {  	_ =	shalt  }
0x52: {  	_ =	shalt  }
0x53: {  	_ =	shalt  }
0x54: {  	_ =	shalt  }
0x55: {  	_ =	shalt  }
0x56: {  	_ =	shalt  }
0x57: {  	_ =	shalt  }
0x58: {  	_ =	shalt  }
0x59: {  	_ =	shalt  }
0x5a: {  	_ =	shalt  }
0x5b: {  	_ =	shalt  }
0x5c: {  	_ =	shalt  }
0x5d: {  	_ =	shalt  }
0x5e: {  	_ =	shalt  }
0x5f: {  	_ =	shalt  }
0x60: {  	_ =	shalt  }
0x61: {  	_ =	shalt  }
0x62: {  	_ =	shalt  }
0x63: {  	_ =	shalt  }
0x64: {  	_ =	shalt  }
0x65: {  	_ =	shalt  }
0x66: {  	_ =	shalt  }
0x67: {  	_ =	shalt  }
0x68: {  	_ =	shalt  }
0x69: {  	_ =	shalt  }
0x6a: {  	_ =	shalt  }
0x6b: {  	_ =	shalt  }
0x6c: {  	_ =	shalt  }
0x6d: {  	_ =	shalt  }
0x6e: {  	_ =	shalt  }
0x6f: {  	_ =	shalt  }
0x70: {  	_ =	shalt  }
0x71: {  	_ =	shalt  }
0x72: {  	_ =	shalt  }
0x73: {  	_ =	shalt  }
0x74: {  	_ =	shalt  }
0x75: {  	_ =	shalt  }
0x76: {  	_ =	shalt  }
0x77: {  	_ =	shalt  }
0x78: {  	_ =	shalt  }
0x79: {  	_ =	shalt  }
0x7a: {  	_ =	shalt  }
0x7b: {  	_ =	shalt  }
0x7c: {  	_ =	shalt  }
0x7d: {  	_ =	shalt  }
0x7e: {  	_ =	shalt  }
0x7f: {  	_ =	shalt  }
0x80: {  	_ =	shalt  }
0x81: {  	_ =	shalt  }
0x82: {  	_ =	shalt  }
0x83: {  	_ =	shalt  }
0x84: {  	_ =	shalt  }
0x85: {  	_ =	shalt  }
0x86: {  	_ =	shalt  }
0x87: {  	_ =	shalt  }
.Lfunc_end0:
.L_simem_size_0:
called_computation_lowered:
.L_overlay_start_0:
0x88: {  	s2 =	sld [smem:$0x3FD9]  }
0x89: {  	s3 =	sld [smem:$0x3FFE];
	_ =	sdelay $0x1  }
0x8a: {  	s1 =	srdreg.scid  }
0x8b: {  	s0 =	sand.u32 $0x1, s1  }
0x8c: {  	s15 =	sshll.u32 s0, $0xA;
	s2 =	sadd.s32 s3, s2  }
0x8d: {  	s2 =	sadd.s32 s2, s15  }
0x8e: {  	[smem:$0x3FB2] =	sst s2  }
0x8f: {  	_ = 	snop  }
0x90: {  	s2 =	sld [smem:$0x3FD0];
	_ =	sdelay $0x2  }
0x91: {  	s16 =	simm.s32 $0xB;
	s4 =	simm.s32 $0x10  }
0x92: {  	[smem:s4], [sflag:s16] =	dma.local [hbm:s2], $0x1  }
0x93: {  	_ =	swait.eq [sflag:s16], $0x1  }
0x94: {  	[sflag:s16] =	ssyncset.done $0x0  }
0x95: {  	[sflag:s16] =	ssyncadd.s32 $0xFFFFFFFF  }
0x96: {  	s17 =	sld [smem:$0x11];
	(tm) =	ssettm $0x1  }
0x97: {  	s18 =	sld [smem:$0x3FFB];
	_ =	sdelay $0x3  }
0x98: {  	_ =	strace s18  }
0x99: {  	s2 =	sld [smem:$0x3FFC];
	_ =	sdelay $0x3  }
0x9a: {  	_ =	strace s2  }
0x9b: {  	s2 =	sld [smem:$0x3FFD];
	_ =	sdelay $0x3  }
0x9c: {  	_ =	strace s2  }
0x9d: {  	_ =	strace $0x8FFFFFFF  }
0x9e: {  	s19 =	sld [smem:$0x3FDB];
	_ =	sdelay $0x1  }
0x9f: {  	s20 =	simm.s32 $_scs_section_size  }
0xa0: {  	s5 =	simm.s32 $_size__tile_overlayer_lowered;
	s6 =	simm.s32 $_tile_overlayer_lowered  }
0xa1: {  	s7 =	simm.s32 $0x1BFF;
	s21 =	sshll.u32 s6, $0x1;
	s4 =	sadd.s32 s20, s19  }
0xa2: {  	s22 =	simm.s32 $0x0;
	s5 =	sshll.u32 s5, $0x1;
	s6 =	sadd.s32 s21, s4  }
0xa3: {  	[timem:s22], [sflag:s7] =	dma.local [hbm:s6], s5  }
0xa4: {  	_ =	swait.ge [sflag:s7], s5  }
0xa5: {  	s5 =	ssub.s32 $0x0, s5;
	[sflag:s7] =	ssyncset.done $0x0  }
0xa6: {  	[sflag:s7] =	ssyncadd.s32 s5;
	_ =	sdelay $0x1  }
0xa7: {  	s23 =	simm.s32 $0x1B8B  }
0xa8: {  	_ =	swait.ge [sflag:s23], $0x1  }
0xa9: {  	[sflag:s23] =	ssyncset.done $0x0  }
0xaa: {  	[sflag:s23] =	ssyncadd.s32 $0xFFFFFFFF  }
0xab: {  	s5 =	sld [smem:$0x0]  }
0xac: {  	s6 =	sand.u32 $0xFFFFFFFE, s1  }
0xad: {  	p0 =	sne.s32 s1, s6  }
0xae: {  	s6 =	sshll.u32 @p0 s6, $0xE  }
0xaf: {  	s6 =	sadd.s32 @p0 $0x11B8D, s6;
	s7 =	sshll.u32 @p0 s5, $0x11  }
0xb0: {  	s6 =	sor.u32 @p0 s7, s6  }
0xb1: {  	[sflag:s6] =	ssyncadd.remote.s32 @p0 $0x1;
	_ =	sdelay $0x1  }
0xb2: {  	s6 =	simm.s32 @p0 $0x1B8D  }
0xb3: {  	_ =	swait.eq @p0 [sflag:s6], $0x1  }
0xb4: {  	[sflag:s6] =	ssyncadd.s32 @p0 $0xFFFFFFFF  }
0xb5: {  	s7 =	sshll.u32 @!p0 s1, $0xE  }
0xb6: {  	s7 =	sor.u32 @!p0 $0x4000, s7;
	s6 =	simm.s32 @!p0 $0x1B8D  }
0xb7: {  	s5 =	sshll.u32 @!p0 s5, $0x11;
	s7 =	sadd.s32 @!p0 $0x11B8D, s7;
	_ =	swait.eq @!p0 [sflag:s6], $0x1  }
0xb8: {  	s5 =	sor.u32 @!p0 s5, s7;
	[sflag:s6] =	ssyncadd.s32 @!p0 $0xFFFFFFFF  }
0xb9: {  	s25 =	simm.s32 $0x1B8E;
	s24 =	sld [smem:$0x3FFE];
	[sflag:s5] =	ssyncadd.remote.s32 @!p0 $0x1  }
0xba: {  	s26 =	simm.s32 $execute0_lowered;
	[smem:$0x3FD2] =	sst s25  }
0xbb: {  	s6 =	sshll.u32 s26, $0x1;
	_ =	strace $0x80000049;
	[dreg:$0x1] =	wrdreg $0xFFFFFFFF  }
0xbc: {  	s28 =	simm.s32 $_size_execute0_lowered;
	s4 =	sadd.s32 s4, s6;
	[dreg:$0x0] =	wrdreg $0x0  }
0xbd: {  	s6 =	sshll.u32 s28, $0x1;
	[dreg:$0x2] =	wrdreg s4  }
0xbe: {  	[dreg:$0x3] =	wrdreg s6  }
0xbf: {  	[dreg:$0x4] =	wrdreg $0xC0  }
0xc0: {  	_ =	task [dreg:s22], $0x5FFFF  }
0xc1: {  	[dreg:$0x1] =	wrdreg $0xFFFFFFFF  }
0xc2: {  	[dreg:$0x0] =	wrdreg $0x60  }
0xc3: {  	[dreg:$0x2] =	wrdreg s24  }
0xc4: {  	[dreg:$0x3] =	wrdreg s17  }
0xc5: {  	[dreg:$0x4] =	wrdreg $0x9  }
0xc6: {  	_ =	task.clear_ibuf [dreg:s22], $0x5FFFF;
	_ =	strace $0x90000049  }
0xc7: {  	s29 =	simm.s32 $0x9;
	_ =	strace $0x8000004B  }
0xc8: {  	_ =	swait.ge [sflag:s29], $0x1  }
0xc9: {  	[sflag:s29] =	ssyncadd.s32 $0xFFFFFFFF  }
0xca: {  	_ =	strace $0x9000004B  }
0xcb: {  	_ =	sfence  }
0xcc: {  	s30 =	sld [smem:$0x0];
	_ =	sdelay $0x2  }
0xcd: {  	s31 =	sshll.u32 s1, $0xD;
	s1 =	sshrl.u32 s1, $0x2  }
0xce: {  	s4 =	sand.u32 $0x4000, s31;
	s1 =	sadd.s32 s1, s30  }
0xcf: {  	s0 =	sor.u32 s4, s0;
	s1 =	sshll.u32 s1, $0x11  }
0xd0: {  	s0 =	sor.u32 s1, s0  }
0xd1: {  	s0 =	sadd.s32 $0x8F2B, s0  }
0xd2: {  	[sflag:s0] =	ssyncadd.remote.s32 $0x1  }
0xd3: {  	_ =	sfence.sel $0xFFFF  }
0xd4: {  	[dreg:$0x0] =	wrdreg $0xFFFFFFFF;
	(pc) =	sbr.abs _section_cstart, $3  }
0xd5: {  	[dreg:$0x1] =	wrdreg $0xFFFFFFFF  }
0xd6: {  	_ =	task.clear_ibuf [dreg:s22], $0x2FFFF;
	_ =	strace $0x9FFFFFFF  }
0xd7: {  	(tm) =	ssettm $0x7FFFFFFF  }
tec
execute0_lowered:
.L_overlay_start_1:
0x0: {  	(tag) =	ssettag $0x1  }
0x1: {  	s3 =	rddreg [dreg:$0x0]  }
0x2: {  	s8 =	rddreg [dreg:$0x1]  }
0x3: {  	s1 =	srdreg.scid;
	s0 =	rddreg [dreg:$0x2]  }
0x4: {  	s2 =	simm.s32 $0x0;
	s11 =	simm.s32 $0xC00;
	s12 =	simm.s32 $0x8C00  }
0x5: {  	s13 =	simm.s32 $0x800;
	s14 =	simm.s32 $0x10C00;
	s15 =	simm.s32 $0x1  }
0x6: {  	s16 =	simm.s32 $0x20;
	s17 =	simm.s32 $0x80;
	s4 =	sand.u32 $0x1, s1  }
0x7: {  	s18 =	simm.s32 $0x2;
	s1 =	stileid.u32;
	s5 =	smul.u32 $0x140000, s4  }
0x8: {  	s19 =	simm.s32 $0x3;
	s20 =	simm.s32 $0x4;
	s6 =	smul.u32 $0x14000, s1  }
0x9: {  	s21 =	simm.s32 $0x0;
	[smem:$0x7FF] =	sst s2;
	s9 =	smul.u32 $0x14000, s4  }
0xa: {  	_ =	strace $0x8000004A;
	s7 =	ssub.s32 $0x2, s4;
	s10 =	smul.u32 $0x1400, s1  }
0xb: {  	s26 =	sshrl.u32 s7, $0x1;
	s25 =	sadd.s32 s5, s3;
	s3 =	sadd.s32 $0x2400, s3  }
0xc: {  	s5 =	ssub.s32 s7, s26;
	s28 =	sadd.s32 s10, s9;
	s6 =	sadd.s32 s6, s25  }
0xd: {  	s4 =	smax.u32 s5, $0x1;
	s29 =	sshrl.u32 s28, $0x3;
	s9 =	sadd.s32 $0x50000, s28  }
0xe: {  	s10 =	sadd.s32 $0x28000, s28;
	s5 =	sadd.s32 $0x29B200, s6;
	s6 =	sadd.s32 s29, s8  }
0xf: {  	s30 =	sshrl.u32 s9, $0x3;
	s31 =	sshrl.u32 s10, $0x3;
	s9 =	simm.s32 $0x5  }
0x10: {  	s10 =	simm.s32 $0x400;
	s7 =	sadd.s32 s30, s8;
	s8 =	sadd.s32 s31, s8  }
.LBB2_1:
0x11: {  	[tilespmem:s2], [sflag:$0x5] =	stream.linear.gather [hbm4b:s6+s2], $0x400, $0x38;
	[tilespmem:$0x18C00] =	vst v63  }
0x12: {  	_ =	swait.ge [sflag:s9], $0x400  }
0x13: {  	[sflag:s9] =	ssyncset.done $0x0  }
0x14: {  	[sflag:s9] =	ssyncadd.s32 $0xFFFFFC00  }
0x15: {  	[tilespmem:s11], [sflag:$0x1] =	stream.indirect.gather [hbm4b:s3+s10], $0x20, s2, s10, $0xb8;
	[tilespmem:$0x18C00] =	vst v63  }
0x16: {  	_ = 	snop  }
0x17: {  	[tilespmem:s10], [sflag:$0x5] =	stream.linear.gather [hbm4b:s8+s2], $0x400, $0x38;
	[tilespmem:$0x18C00] =	vst v63  }
0x18: {  	_ =	swait.ge [sflag:s9], $0x400  }
0x19: {  	[sflag:s9] =	ssyncset.done $0x0  }
0x1a: {  	[sflag:s9] =	ssyncadd.s32 $0xFFFFFC00  }
0x1b: {  	[tilespmem:s12], [sflag:$0x2] =	stream.indirect.gather [hbm4b:s3+s10], $0x20, s10, s10, $0xb8;
	[tilespmem:$0x18C00] =	vst v63  }
0x1c: {  	_ = 	snop  }
0x1d: {  	[tilespmem:s13], [sflag:$0x5] =	stream.linear.gather [hbm4b:s7+s2], $0x400, $0x38;
	[tilespmem:$0x18C00] =	vst v63  }
0x1e: {  	_ =	swait.ge [sflag:s9], $0x400  }
0x1f: {  	[sflag:s9] =	ssyncset.done $0x0  }
0x20: {  	[sflag:s9] =	ssyncadd.s32 $0xFFFFFC00  }
0x21: {  	[tilespmem:s14], [sflag:$0x3] =	stream.indirect.gather [hbm4b:s3+s10], $0x20, s13, s10, $0xb8;
	[tilespmem:$0x18C00] =	vst v63  }
0x22: {  	_ =	swait.ge [sflag:s15], $0x8000  }
0x23: {  	[sflag:s15] =	ssyncset.done $0x0  }
0x24: {  	s22 =	sadd.s32 $0x0, s5;
	[sflag:s15] =	ssyncadd.s32 $0xFFFF8000  }
0x25: {  	[hbm4b:s22+s16] =	stream.strided.scatter [tilespmem:s11], [sflag:$0x4], $0x8000, s17, s16, $0x38;
	[tilespmem:$0x18C00] =	vst v63  }
0x26: {  	_ =	swait.ge [sflag:s18], $0x8000  }
0x27: {  	[sflag:s18] =	ssyncset.done $0x0  }
0x28: {  	s23 =	sadd.s32 $0x4, s22;
	[sflag:s18] =	ssyncadd.s32 $0xFFFF8000  }
0x29: {  	[hbm4b:s23+s16] =	stream.strided.scatter [tilespmem:s12], [sflag:$0x4], $0x8000, s17, s16, $0x38;
	[tilespmem:$0x18C00] =	vst v63  }
0x2a: {  	_ =	swait.ge [sflag:s19], $0x8000  }
0x2b: {  	[sflag:s19] =	ssyncset.done $0x0  }
0x2c: {  	s22 =	sadd.s32 $0x8, s22;
	[sflag:s19] =	ssyncadd.s32 $0xFFFF8000  }
0x2d: {  	[hbm4b:s22+s16] =	stream.strided.scatter [tilespmem:s14], [sflag:$0x4], $0x8000, s17, s16, $0x38;
	[tilespmem:$0x18C00] =	vst v63  }
0x2e: {  	_ =	swait.ge [sflag:s20], $0x8000  }
0x2f: {  	[sflag:s20] =	ssyncset.done $0x0  }
0x30: {  	[sflag:s20] =	ssyncadd.s32 $0xFFFF8000  }
0x31: {  	_ =	swait.ge [sflag:s20], $0x8000  }
0x32: {  	[sflag:s20] =	ssyncset.done $0x0  }
0x33: {  	[sflag:s20] =	ssyncadd.s32 $0xFFFF8000  }
0x34: {  	s24 =	smov.u32 s6;
	s25 =	smov.u32 s7;
	_ =	swait.ge [sflag:s20], $0x8000  }
0x35: {  	s23 =	sadd.s32 $0x80, s8;
	s22 =	simm.s32 $0x4000;
	[sflag:s20] =	ssyncset.done $0x0  }
.LBB2_2:
0x36: {  	[sflag:s20] =	ssyncadd.s32 $0xFFFF8000  }
0x37: {  	s24 =	sadd.s32 $0x80, s24;
	s25 =	sadd.s32 $0x80, s25;
	s26 =	smov.u32 s22  }
0x38: {  	[tilespmem:s2], [sflag:$0x5] =	stream.linear.gather [hbm4b:s24+s2], $0x400, $0x38;
	[tilespmem:$0x18C00] =	vst v63  }
0x39: {  	p0 =	sne.s32 s22, $0x10000;
	s22 =	sadd.s32 $0x4000, s22;
	_ =	swait.ge [sflag:s9], $0x400  }
0x3a: {  	[sflag:s9] =	ssyncset.done $0x0  }
0x3b: {  	[sflag:s9] =	ssyncadd.s32 $0xFFFFFC00  }
0x3c: {  	[tilespmem:s11], [sflag:$0x1] =	stream.indirect.gather [hbm4b:s3+s10], $0x20, s2, s10, $0xb8;
	[tilespmem:$0x18C00] =	vst v63  }
0x3d: {  	_ = 	snop  }
0x3e: {  	[tilespmem:s10], [sflag:$0x5] =	stream.linear.gather [hbm4b:s23+s2], $0x400, $0x38;
	[tilespmem:$0x18C00] =	vst v63  }
0x3f: {  	_ =	swait.ge [sflag:s9], $0x400  }
0x40: {  	[sflag:s9] =	ssyncset.done $0x0  }
0x41: {  	[sflag:s9] =	ssyncadd.s32 $0xFFFFFC00  }
0x42: {  	[tilespmem:s12], [sflag:$0x2] =	stream.indirect.gather [hbm4b:s3+s10], $0x20, s10, s10, $0xb8;
	[tilespmem:$0x18C00] =	vst v63  }
0x43: {  	_ = 	snop  }
0x44: {  	[tilespmem:s13], [sflag:$0x5] =	stream.linear.gather [hbm4b:s25+s2], $0x400, $0x38;
	[tilespmem:$0x18C00] =	vst v63  }
0x45: {  	_ =	swait.ge [sflag:s9], $0x400  }
0x46: {  	[sflag:s9] =	ssyncset.done $0x0  }
0x47: {  	[sflag:s9] =	ssyncadd.s32 $0xFFFFFC00  }
0x48: {  	[tilespmem:s14], [sflag:$0x3] =	stream.indirect.gather [hbm4b:s3+s10], $0x20, s13, s10, $0xb8;
	[tilespmem:$0x18C00] =	vst v63  }
0x49: {  	_ =	swait.ge [sflag:s15], $0x8000  }
0x4a: {  	[sflag:s15] =	ssyncset.done $0x0  }
0x4b: {  	s26 =	sadd.s32 s26, s5;
	[sflag:s15] =	ssyncadd.s32 $0xFFFF8000  }
0x4c: {  	[hbm4b:s26+s16] =	stream.strided.scatter [tilespmem:s11], [sflag:$0x4], $0x8000, s17, s16, $0x38;
	[tilespmem:$0x18C00] =	vst v63  }
0x4d: {  	_ =	swait.ge [sflag:s18], $0x8000  }
0x4e: {  	[sflag:s18] =	ssyncset.done $0x0  }
0x4f: {  	s28 =	sadd.s32 $0x4, s26;
	[sflag:s18] =	ssyncadd.s32 $0xFFFF8000  }
0x50: {  	[hbm4b:s28+s16] =	stream.strided.scatter [tilespmem:s12], [sflag:$0x4], $0x8000, s17, s16, $0x38;
	[tilespmem:$0x18C00] =	vst v63  }
0x51: {  	_ =	swait.ge [sflag:s19], $0x8000  }
0x52: {  	[sflag:s19] =	ssyncset.done $0x0  }
0x53: {  	s26 =	sadd.s32 $0x8, s26;
	[sflag:s19] =	ssyncadd.s32 $0xFFFF8000  }
0x54: {  	[hbm4b:s26+s16] =	stream.strided.scatter [tilespmem:s14], [sflag:$0x4], $0x8000, s17, s16, $0x38;
	[tilespmem:$0x18C00] =	vst v63  }
0x55: {  	_ =	swait.ge [sflag:s20], $0x8000  }
0x56: {  	[sflag:s20] =	ssyncset.done $0x0  }
0x57: {  	[sflag:s20] =	ssyncadd.s32 $0xFFFF8000  }
.Ltmp0:
0x58: {  	_ =	swait.ge [sflag:s20], $0x8000;
	(pc) =	sbr.rel @p0 .LBB2_2-.Ltmp0, $4  }
0x59: {  	[sflag:s20] =	ssyncset.done $0x0  }
0x5a: {  	[sflag:s20] =	ssyncadd.s32 $0xFFFF8000  }
0x5b: {  	_ =	swait.ge [sflag:s20], $0x8000  }
0x5c: {  	s23 =	sadd.s32 $0x80, s23;
	[sflag:s20] =	ssyncset.done $0x0  }
0x5d: {  	s21 =	sadd.s32 $0x1, s21  }
0x5e: {  	p0 =	sne.s32 s21, s4  }
.Ltmp1:
0x5f: {  	_ = 	snop;
	(pc) =	sbr.rel @p0 .LBB2_1-.Ltmp1, $2  }
0x60: {  	_ =	sdelay $0x2  }
0x61: {  	[sflag:s20] =	ssyncadd.s32 $0xFFFF8000  }
0x62: {  	_ =	sfence.sel $0x180000  }
0x63: {  	[bflag:$0x0] =	sbarrier.arrive $0xFFFF  }
0x64: {  	p0 =	sne.s32 s1, $0x0;
	_ =	strace $0x9000004A  }
0x65: {  	s0 =	sadd.s32 @!p0 $0x100000, s0;
	[bflag:$0x2] =	sbarrier.arrive $0xFFFF  }
0x66: {  	[sflag:s0] =	ssyncadd.tile.s32 @!p0 $0x1;
	_ =	shalt  }
.Lfunc_end2:
_tile_overlayer_lowered:
.L_overlay_start_2:
0x67: {  	(tag) =	ssettag $0x2  }
0x68: {  	s0 =	rddreg [dreg:$0x0];
	s2 =	stileid.u32  }
0x69: {  	s1 =	rddreg [dreg:$0x1];
	p0 =	sne.s32 s2, $0x0  }
0x6a: {  	s3 =	rddreg [dreg:$0x2];
	[bflag:$0x3] =	sbarrier.arrive $0xFFFF;
	s2 =	simm.s32 @!p0 $0x1C05  }
0x6b: {  	[timem:s3], [sflag:s2] =	dma.local @!p0 [hbm:s0], s1  }
0x6c: {  	s0 =	simm.s32 @!p0 $0x5  }
0x6d: {  	_ =	swait.ge @!p0 [sflag:s0], s1  }
0x6e: {  	s1 =	ssub.s32 @!p0 $0x0, s1;
	[sflag:s0] =	ssyncset.done @!p0 $0x0  }
0x6f: {  	[sflag:s0] =	ssyncadd.s32 @!p0 s1  }
0x70: {  	[bflag:$0x3] =	sbarrier.arrive $0xFFFF  }
0x71: {  	_ =	shalt  }

// kernel: kernel.15.cloned.1.call-start
scs
__scs_entry_jumppad:
0x0: {  	(pc) =	sbr.rel $0x88, $3  }
0x1: {  	(tag) =	ssettag $0x0;
	lr =	simm.s32 $0x1  }
0x2: {  	[smem:$0x3F8B] =	sst lr;
	_ =	strace $0xD0000000  }
0x3: {  	_ = 	snop  }
0x4: {  	_ = 	snop  }
0x5: {  	_ = 	snop  }
0x6: {  	_ = 	snop  }
0x7: {  	_ = 	snop  }
__scs_overlays_trampoline_lowered:
0x8: {  	[smem:$0x3F9A] =	sst s0  }
0x9: {  	[smem:$0x3F9B] =	sst s1  }
0xa: {  	[smem:$0x3F9C] =	sst s2  }
0xb: {  	[smem:$0x3F9D] =	sst s3  }
0xc: {  	[smem:$0x3F9E] =	sst s4  }
0xd: {  	[smem:$0x3F9F] =	sst s5  }
0xe: {  	[smem:$0x3FA0] =	sst s6  }
0xf: {  	[smem:$0x3FA1] =	sst s7  }
0x10: {  	[smem:$0x3FA2] =	sst s8  }
0x11: {  	[smem:$0x3FA3] =	sst s9;
	s0 =	simm.s32 @!p0 $0x0  }
0x12: {  	s1 =	sld [smem:$0x3F89];
	s0 =	simm.s32 @p0 $0x1  }
0x13: {  	[smem:$0x3FA4] =	sst s0;
	s0 =	simm.s32 @!p1 $0x0  }
0x14: {  	s2 =	sld [smem:$0x3F88];
	s0 =	simm.s32 @p1 $0x1  }
0x15: {  	[smem:$0x3FA5] =	sst s0;
	s0 =	simm.s32 @!p2 $0x0  }
0x16: {  	s3 =	sld [smem:$0x3FDB];
	s0 =	simm.s32 @p2 $0x1  }
0x17: {  	s4 =	simm.s32 $0x1BF5;
	[smem:$0x3FA7] =	sst s0  }
0x18: {  	s0 =	sld [smem:$0x3F8A];
	_ =	swait.ge [sflag:s4], $0x0  }
0x19: {  	s7 =	sld [smem:$0x3F8B]  }
0x1a: {  	s8 =	sadd.s32 $0xFFFFE003, lr  }
0x1b: {  	s9 =	sadd.s32 $0xFFFFFEF7, lr;
	s5 =	simm.s32 $0xFFFFFFFF;
	p2 =	slt.u32 s8, $0xFFFFF086  }
0x1c: {  	p1 =	slt.u32 s9, $0xF7A;
	s5 =	simm.s32 @!p2 $0x0  }
0x1d: {  	s5 =	simm.s32 @p1 $0x1;
	p0 =	seq.s32 s7, s2  }
0x1e: {  	s7 =	smul.u32 @!p0 $0xF7A, s2;
	p2 =	seq.s32 @!p0 s5, $0x0  }
0x1f: {  	s9 =	smul.u32 $0xF7A, s1;
	s8 =	simm.s32 @!p0 $0x1BF5;
	p2 =	por !p2, p0  }
0x20: {  	[sflag:s8] =	ssyncset.s32 @!p0 $0xFFFFF086;
	s6 =	sadd.s32 @!p0 s3, s7;
	s7 =	simm.s32 @!p0 $0x108  }
0x21: {  	s3 =	sadd.s32 s3, s9;
	s6 =	sadd.s32 @!p0 $0x88, s6;
	s7 =	simm.s32 @p2 $0x1082  }
0x22: {  	[simem:s7], [sflag:s8] =	dma.local @!p0 [hbm:s6], $0xF7A  }
0x23: {  	s9 =	sor.u32 $0xD0000000, s2;
	s6 =	simm.s32 $0x108;
	_ =	swait.ge @!p0 [sflag:s8], $0x0  }
0x24: {  	s3 =	sadd.s32 $0x88, s3;
	s6 =	simm.s32 @!p1 $0x1082;
	[sflag:s4] =	ssyncset.s32 $0xFFFFF086  }
0x25: {  	[simem:s6], [sflag:s4] =	dma.local [hbm:s3], $0xF7A  }
0x26: {  	[smem:$0x3F8B] =	sst s1;
	(tag) =	ssettag s2;
	_ =	strace s9  }
0x27: {  	s1 =	sld [smem:$0x3F9B]  }
0x28: {  	s2 =	sld [smem:$0x3F9C]  }
0x29: {  	s4 =	sld [smem:$0x3F9E]  }
0x2a: {  	p0 =	seq.s32 s5, $0x0;
	s5 =	sld [smem:$0x3F9F]  }
0x2b: {  	s6 =	sld [smem:$0x3FA0]  }
0x2c: {  	s7 =	sld [smem:$0x3FA1]  }
0x2d: {  	s3 =	simm.s32 $0x108;
	s8 =	sld [smem:$0x3FA2]  }
0x2e: {  	s3 =	simm.s32 @!p0 $0x1082;
	s9 =	sld [smem:$0x3FA3]  }
0x2f: {  	lr =	sadd.s32 s0, s3;
	s0 =	sld [smem:$0x3F9A]  }
0x30: {  	s3 =	sld [smem:$0x3F9D]  }
0x31: {  	[smem:$0x3FA6] =	sst s10  }
0x32: {  	s10 =	sld [smem:$0x3FA4];
	_ =	sdelay $0x3  }
0x33: {  	p0 =	seq.s32 s10, $0x1;
	s10 =	sld [smem:$0x3FA6];
	_ =	sdelay $0x3  }
0x34: {  	[smem:$0x3FA6] =	sst s10  }
0x35: {  	s10 =	sld [smem:$0x3FA5];
	_ =	sdelay $0x3  }
0x36: {  	p1 =	seq.s32 s10, $0x1;
	s10 =	sld [smem:$0x3FA6];
	_ =	sdelay $0x3  }
0x37: {  	[smem:$0x3FA6] =	sst s10  }
0x38: {  	s10 =	sld [smem:$0x3FA7]  }
0x39: {  	_ = 	snop;
	(pc) =	sbr.ind lr, $3  }
0x3a: {  	_ = 	snop  }
0x3b: {  	_ = 	snop  }
0x3c: {  	p2 =	seq.s32 s10, $0x1;
	s10 =	sld [smem:$0x3FA6]  }
0x3d: {  	_ =	shalt  }
0x3e: {  	_ =	shalt  }
0x3f: {  	_ =	shalt  }
0x40: {  	_ =	shalt  }
0x41: {  	_ =	shalt  }
0x42: {  	_ =	shalt  }
0x43: {  	_ =	shalt  }
0x44: {  	_ =	shalt  }
0x45: {  	_ =	shalt  }
0x46: {  	_ =	shalt  }
0x47: {  	_ =	shalt  }
0x48: {  	_ =	shalt  }
0x49: {  	_ =	shalt  }
0x4a: {  	_ =	shalt  }
0x4b: {  	_ =	shalt  }
0x4c: {  	_ =	shalt  }
0x4d: {  	_ =	shalt  }
0x4e: {  	_ =	shalt  }
0x4f: {  	_ =	shalt  }
0x50: {  	_ =	shalt  }
0x51: {  	_ =	shalt  }
0x52: {  	_ =	shalt  }
0x53: {  	_ =	shalt  }
0x54: {  	_ =	shalt  }
0x55: {  	_ =	shalt  }
0x56: {  	_ =	shalt  }
0x57: {  	_ =	shalt  }
0x58: {  	_ =	shalt  }
0x59: {  	_ =	shalt  }
0x5a: {  	_ =	shalt  }
0x5b: {  	_ =	shalt  }
0x5c: {  	_ =	shalt  }
0x5d: {  	_ =	shalt  }
0x5e: {  	_ =	shalt  }
0x5f: {  	_ =	shalt  }
0x60: {  	_ =	shalt  }
0x61: {  	_ =	shalt  }
0x62: {  	_ =	shalt  }
0x63: {  	_ =	shalt  }
0x64: {  	_ =	shalt  }
0x65: {  	_ =	shalt  }
0x66: {  	_ =	shalt  }
0x67: {  	_ =	shalt  }
0x68: {  	_ =	shalt  }
0x69: {  	_ =	shalt  }
0x6a: {  	_ =	shalt  }
0x6b: {  	_ =	shalt  }
0x6c: {  	_ =	shalt  }
0x6d: {  	_ =	shalt  }
0x6e: {  	_ =	shalt  }
0x6f: {  	_ =	shalt  }
0x70: {  	_ =	shalt  }
0x71: {  	_ =	shalt  }
0x72: {  	_ =	shalt  }
0x73: {  	_ =	shalt  }
0x74: {  	_ =	shalt  }
0x75: {  	_ =	shalt  }
0x76: {  	_ =	shalt  }
0x77: {  	_ =	shalt  }
0x78: {  	_ =	shalt  }
0x79: {  	_ =	shalt  }
0x7a: {  	_ =	shalt  }
0x7b: {  	_ =	shalt  }
0x7c: {  	_ =	shalt  }
0x7d: {  	_ =	shalt  }
0x7e: {  	_ =	shalt  }
0x7f: {  	_ =	shalt  }
0x80: {  	_ =	shalt  }
0x81: {  	_ =	shalt  }
0x82: {  	_ =	shalt  }
0x83: {  	_ =	shalt  }
0x84: {  	_ =	shalt  }
0x85: {  	_ =	shalt  }
0x86: {  	_ =	shalt  }
0x87: {  	_ =	shalt  }
.Lfunc_end0:
.L_simem_size_0:
called_computation.1_lowered:
.L_overlay_start_0:
0x88: {  	s2 =	sld [smem:$0x3FD9]  }
0x89: {  	s3 =	sld [smem:$0x3FFE];
	_ =	sdelay $0x1  }
0x8a: {  	s1 =	srdreg.scid  }
0x8b: {  	s0 =	sand.u32 $0x1, s1  }
0x8c: {  	s16 =	sshll.u32 s0, $0xA;
	s2 =	sadd.s32 s3, s2  }
0x8d: {  	s2 =	sadd.s32 s2, s16  }
0x8e: {  	[smem:$0x3FB2] =	sst s2  }
0x8f: {  	_ = 	snop  }
0x90: {  	(tm) =	ssettm $0x1  }
0x91: {  	s17 =	sld [smem:$0x3FFB];
	_ =	sdelay $0x3  }
0x92: {  	_ =	strace s17  }
0x93: {  	s2 =	sld [smem:$0x3FFC];
	_ =	sdelay $0x3  }
0x94: {  	_ =	strace s2  }
0x95: {  	s2 =	sld [smem:$0x3FFD];
	_ =	sdelay $0x3  }
0x96: {  	_ =	strace s2  }
0x97: {  	_ =	strace $0x8FFFFFFF  }
0x98: {  	s18 =	sld [smem:$0x3FDB];
	_ =	sdelay $0x1  }
0x99: {  	s19 =	simm.s32 $_scs_section_size  }
0x9a: {  	s4 =	simm.s32 $_size__tile_overlayer_lowered;
	s5 =	simm.s32 $_tile_overlayer_lowered  }
0x9b: {  	s22 =	simm.s32 $0x1BFF;
	s21 =	sshll.u32 s5, $0x1;
	s2 =	sadd.s32 s19, s18  }
0x9c: {  	s6 =	simm.s32 $0x0;
	s20 =	sshll.u32 s4, $0x1;
	s4 =	sadd.s32 s21, s2  }
0x9d: {  	[timem:s6], [sflag:s22] =	dma.local [hbm:s4], s20  }
0x9e: {  	_ =	swait.ge [sflag:s22], s20  }
0x9f: {  	s3 =	ssub.s32 $0x0, s20;
	[sflag:s22] =	ssyncset.done $0x0  }
0xa0: {  	[sflag:s22] =	ssyncadd.s32 s3;
	_ =	sdelay $0x1  }
0xa1: {  	s23 =	simm.s32 $0x1B8B  }
0xa2: {  	_ =	swait.ge [sflag:s23], $0x1  }
0xa3: {  	[sflag:s23] =	ssyncset.done $0x0  }
0xa4: {  	s25 =	simm.s32 $0x1B8E;
	s24 =	sld [smem:$0x3FFE];
	[sflag:s23] =	ssyncadd.s32 $0xFFFFFFFF  }
0xa5: {  	s26 =	simm.s32 $execute0_lowered;
	[smem:$0x3FD2] =	sst s25  }
0xa6: {  	s4 =	sshll.u32 s26, $0x1;
	_ =	strace $0x80000046;
	[dreg:$0x1] =	wrdreg $0xFFFFFFFF  }
0xa7: {  	s28 =	simm.s32 $_size_execute0_lowered;
	s2 =	sadd.s32 s2, s4;
	[dreg:$0x0] =	wrdreg $0x0  }
0xa8: {  	s4 =	sshll.u32 s28, $0x1;
	[dreg:$0x2] =	wrdreg s2  }
0xa9: {  	[dreg:$0x3] =	wrdreg s4  }
0xaa: {  	[dreg:$0x4] =	wrdreg $0xC0  }
0xab: {  	_ =	task [dreg:s6], $0x5FFFF  }
0xac: {  	[dreg:$0x1] =	wrdreg $0xFFFFFFFF  }
0xad: {  	[dreg:$0x0] =	wrdreg $0x60  }
0xae: {  	[dreg:$0x2] =	wrdreg s24  }
0xaf: {  	[dreg:$0x3] =	wrdreg $0xA  }
0xb0: {  	_ =	task.clear_ibuf [dreg:s6], $0x4FFFF;
	_ =	strace $0x90000046  }
0xb1: {  	s29 =	simm.s32 $0xA;
	_ =	strace $0x80000048  }
0xb2: {  	_ =	swait.ge [sflag:s29], $0x1  }
0xb3: {  	[sflag:s29] =	ssyncadd.s32 $0xFFFFFFFF  }
0xb4: {  	_ =	strace $0x90000048  }
0xb5: {  	_ =	sfence  }
0xb6: {  	s30 =	sld [smem:$0x0];
	_ =	sdelay $0x2  }
0xb7: {  	s31 =	sshll.u32 s1, $0xD;
	s1 =	sshrl.u32 s1, $0x2  }
0xb8: {  	s3 =	sand.u32 $0x4000, s31;
	s1 =	sadd.s32 s1, s30  }
0xb9: {  	s0 =	sor.u32 s3, s0;
	s1 =	sshll.u32 s1, $0x11  }
0xba: {  	s0 =	sor.u32 s1, s0  }
0xbb: {  	s0 =	sadd.s32 $0x8F2B, s0  }
0xbc: {  	[sflag:s0] =	ssyncadd.remote.s32 $0x1  }
0xbd: {  	_ =	sfence.sel $0xFFFF  }
0xbe: {  	[dreg:$0x0] =	wrdreg $0xFFFFFFFF;
	(pc) =	sbr.abs _section_cstart, $3  }
0xbf: {  	[dreg:$0x1] =	wrdreg $0xFFFFFFFF  }
0xc0: {  	_ =	task.clear_ibuf [dreg:s6], $0x2FFFF;
	_ =	strace $0x9FFFFFFF  }
0xc1: {  	(tm) =	ssettm $0x7FFFFFFF  }
tec
execute0_lowered:
.L_overlay_start_1:
0x0: {  	(tag) =	ssettag $0x1  }
0x1: {  	s4 =	rddreg [dreg:$0x0]  }
0x2: {  	s0 =	rddreg [dreg:$0x1];
	s1 =	simm.s32 $0x0;
	s2 =	srdreg.scid  }
0x3: {  	s12 =	simm.s32 $0x8C00;
	s13 =	simm.s32 $0x800;
	s14 =	simm.s32 $0x10C00  }
0x4: {  	s15 =	simm.s32 $0x1;
	s16 =	simm.s32 $0x20;
	s17 =	simm.s32 $0x80  }
0x5: {  	s18 =	simm.s32 $0x2;
	s19 =	simm.s32 $0x3;
	s5 =	sand.u32 $0x1, s2  }
0x6: {  	s20 =	simm.s32 $0x4;
	s2 =	stileid.u32;
	s6 =	smul.u32 $0x140000, s5  }
0x7: {  	s21 =	simm.s32 $0x0;
	[smem:$0x7FF] =	sst s1;
	s7 =	smul.u32 $0x14000, s2  }
0x8: {  	s3 =	sadd.s32 $0x2400, s4;
	s8 =	ssub.s32 $0x2, s5;
	s9 =	smul.u32 $0x14000, s5  }
0x9: {  	s11 =	sadd.s32 $0xC200, s4;
	s10 =	smul.u32 $0x1400, s2;
	s24 =	sshrl.u32 s8, $0x1  }
0xa: {  	_ =	strace $0x80000047;
	s23 =	sadd.s32 s6, s4;
	s25 =	ssub.s32 s8, s24  }
0xb: {  	s26 =	sadd.s32 s10, s9;
	s10 =	simm.s32 $0x400;
	s5 =	sadd.s32 s7, s23  }
0xc: {  	s4 =	smax.u32 s25, $0x1;
	s28 =	sshrl.u32 s26, $0x3;
	s29 =	sadd.s32 $0x50000, s26  }
0xd: {  	s9 =	sadd.s32 $0x28000, s26;
	s5 =	sadd.s32 $0x1B200, s5;
	s6 =	sadd.s32 s28, s11  }
0xe: {  	s30 =	sshrl.u32 s29, $0x3;
	s31 =	sshrl.u32 s9, $0x3;
	s9 =	simm.s32 $0x5  }
0xf: {  	s7 =	sadd.s32 s30, s11;
	s8 =	sadd.s32 s31, s11;
	s11 =	simm.s32 $0xC00  }
.LBB2_1:
0x10: {  	[tilespmem:s1], [sflag:$0x5] =	stream.linear.gather [hbm4b:s6+s1], $0x400, $0x38;
	[tilespmem:$0x18C00] =	vst v63  }
0x11: {  	_ =	swait.ge [sflag:s9], $0x400  }
0x12: {  	[sflag:s9] =	ssyncset.done $0x0  }
0x13: {  	[sflag:s9] =	ssyncadd.s32 $0xFFFFFC00  }
0x14: {  	[tilespmem:s11], [sflag:$0x1] =	stream.indirect.gather [hbm4b:s3+s10], $0x20, s1, s10, $0xb8;
	[tilespmem:$0x18C00] =	vst v63  }
0x15: {  	_ = 	snop  }
0x16: {  	[tilespmem:s10], [sflag:$0x5] =	stream.linear.gather [hbm4b:s8+s1], $0x400, $0x38;
	[tilespmem:$0x18C00] =	vst v63  }
0x17: {  	_ =	swait.ge [sflag:s9], $0x400  }
0x18: {  	[sflag:s9] =	ssyncset.done $0x0  }
0x19: {  	[sflag:s9] =	ssyncadd.s32 $0xFFFFFC00  }
0x1a: {  	[tilespmem:s12], [sflag:$0x2] =	stream.indirect.gather [hbm4b:s3+s10], $0x20, s10, s10, $0xb8;
	[tilespmem:$0x18C00] =	vst v63  }
0x1b: {  	_ = 	snop  }
0x1c: {  	[tilespmem:s13], [sflag:$0x5] =	stream.linear.gather [hbm4b:s7+s1], $0x400, $0x38;
	[tilespmem:$0x18C00] =	vst v63  }
0x1d: {  	_ =	swait.ge [sflag:s9], $0x400  }
0x1e: {  	[sflag:s9] =	ssyncset.done $0x0  }
0x1f: {  	[sflag:s9] =	ssyncadd.s32 $0xFFFFFC00  }
0x20: {  	[tilespmem:s14], [sflag:$0x3] =	stream.indirect.gather [hbm4b:s3+s10], $0x20, s13, s10, $0xb8;
	[tilespmem:$0x18C00] =	vst v63  }
0x21: {  	_ =	swait.ge [sflag:s15], $0x8000  }
0x22: {  	[sflag:s15] =	ssyncset.done $0x0  }
0x23: {  	s22 =	sadd.s32 $0x0, s5;
	[sflag:s15] =	ssyncadd.s32 $0xFFFF8000  }
0x24: {  	[hbm4b:s22+s16] =	stream.strided.scatter [tilespmem:s11], [sflag:$0x4], $0x8000, s17, s16, $0x38;
	[tilespmem:$0x18C00] =	vst v63  }
0x25: {  	_ =	swait.ge [sflag:s18], $0x8000  }
0x26: {  	[sflag:s18] =	ssyncset.done $0x0  }
0x27: {  	s23 =	sadd.s32 $0x4, s22;
	[sflag:s18] =	ssyncadd.s32 $0xFFFF8000  }
0x28: {  	[hbm4b:s23+s16] =	stream.strided.scatter [tilespmem:s12], [sflag:$0x4], $0x8000, s17, s16, $0x38;
	[tilespmem:$0x18C00] =	vst v63  }
0x29: {  	_ =	swait.ge [sflag:s19], $0x8000  }
0x2a: {  	[sflag:s19] =	ssyncset.done $0x0  }
0x2b: {  	s22 =	sadd.s32 $0x8, s22;
	[sflag:s19] =	ssyncadd.s32 $0xFFFF8000  }
0x2c: {  	[hbm4b:s22+s16] =	stream.strided.scatter [tilespmem:s14], [sflag:$0x4], $0x8000, s17, s16, $0x38;
	[tilespmem:$0x18C00] =	vst v63  }
0x2d: {  	_ =	swait.ge [sflag:s20], $0x8000  }
0x2e: {  	[sflag:s20] =	ssyncset.done $0x0  }
0x2f: {  	[sflag:s20] =	ssyncadd.s32 $0xFFFF8000  }
0x30: {  	_ =	swait.ge [sflag:s20], $0x8000  }
0x31: {  	[sflag:s20] =	ssyncset.done $0x0  }
0x32: {  	[sflag:s20] =	ssyncadd.s32 $0xFFFF8000  }
0x33: {  	s24 =	smov.u32 s6;
	s25 =	smov.u32 s7;
	_ =	swait.ge [sflag:s20], $0x8000  }
0x34: {  	s23 =	sadd.s32 $0x80, s8;
	s22 =	simm.s32 $0x4000;
	[sflag:s20] =	ssyncset.done $0x0  }
.LBB2_2:
0x35: {  	[sflag:s20] =	ssyncadd.s32 $0xFFFF8000  }
0x36: {  	s24 =	sadd.s32 $0x80, s24;
	s25 =	sadd.s32 $0x80, s25;
	s26 =	smov.u32 s22  }
0x37: {  	[tilespmem:s1], [sflag:$0x5] =	stream.linear.gather [hbm4b:s24+s1], $0x400, $0x38;
	[tilespmem:$0x18C00] =	vst v63  }
0x38: {  	p0 =	sne.s32 s22, $0x10000;
	s22 =	sadd.s32 $0x4000, s22;
	_ =	swait.ge [sflag:s9], $0x400  }
0x39: {  	[sflag:s9] =	ssyncset.done $0x0  }
0x3a: {  	[sflag:s9] =	ssyncadd.s32 $0xFFFFFC00  }
0x3b: {  	[tilespmem:s11], [sflag:$0x1] =	stream.indirect.gather [hbm4b:s3+s10], $0x20, s1, s10, $0xb8;
	[tilespmem:$0x18C00] =	vst v63  }
0x3c: {  	_ = 	snop  }
0x3d: {  	[tilespmem:s10], [sflag:$0x5] =	stream.linear.gather [hbm4b:s23+s1], $0x400, $0x38;
	[tilespmem:$0x18C00] =	vst v63  }
0x3e: {  	_ =	swait.ge [sflag:s9], $0x400  }
0x3f: {  	[sflag:s9] =	ssyncset.done $0x0  }
0x40: {  	[sflag:s9] =	ssyncadd.s32 $0xFFFFFC00  }
0x41: {  	[tilespmem:s12], [sflag:$0x2] =	stream.indirect.gather [hbm4b:s3+s10], $0x20, s10, s10, $0xb8;
	[tilespmem:$0x18C00] =	vst v63  }
0x42: {  	_ = 	snop  }
0x43: {  	[tilespmem:s13], [sflag:$0x5] =	stream.linear.gather [hbm4b:s25+s1], $0x400, $0x38;
	[tilespmem:$0x18C00] =	vst v63  }
0x44: {  	_ =	swait.ge [sflag:s9], $0x400  }
0x45: {  	[sflag:s9] =	ssyncset.done $0x0  }
0x46: {  	[sflag:s9] =	ssyncadd.s32 $0xFFFFFC00  }
0x47: {  	[tilespmem:s14], [sflag:$0x3] =	stream.indirect.gather [hbm4b:s3+s10], $0x20, s13, s10, $0xb8;
	[tilespmem:$0x18C00] =	vst v63  }
0x48: {  	_ =	swait.ge [sflag:s15], $0x8000  }
0x49: {  	[sflag:s15] =	ssyncset.done $0x0  }
0x4a: {  	s26 =	sadd.s32 s26, s5;
	[sflag:s15] =	ssyncadd.s32 $0xFFFF8000  }
0x4b: {  	[hbm4b:s26+s16] =	stream.strided.scatter [tilespmem:s11], [sflag:$0x4], $0x8000, s17, s16, $0x38;
	[tilespmem:$0x18C00] =	vst v63  }
0x4c: {  	_ =	swait.ge [sflag:s18], $0x8000  }
0x4d: {  	[sflag:s18] =	ssyncset.done $0x0  }
0x4e: {  	s28 =	sadd.s32 $0x4, s26;
	[sflag:s18] =	ssyncadd.s32 $0xFFFF8000  }
0x4f: {  	[hbm4b:s28+s16] =	stream.strided.scatter [tilespmem:s12], [sflag:$0x4], $0x8000, s17, s16, $0x38;
	[tilespmem:$0x18C00] =	vst v63  }
0x50: {  	_ =	swait.ge [sflag:s19], $0x8000  }
0x51: {  	[sflag:s19] =	ssyncset.done $0x0  }
0x52: {  	s26 =	sadd.s32 $0x8, s26;
	[sflag:s19] =	ssyncadd.s32 $0xFFFF8000  }
0x53: {  	[hbm4b:s26+s16] =	stream.strided.scatter [tilespmem:s14], [sflag:$0x4], $0x8000, s17, s16, $0x38;
	[tilespmem:$0x18C00] =	vst v63  }
0x54: {  	_ =	swait.ge [sflag:s20], $0x8000  }
0x55: {  	[sflag:s20] =	ssyncset.done $0x0  }
0x56: {  	[sflag:s20] =	ssyncadd.s32 $0xFFFF8000  }
.Ltmp0:
0x57: {  	_ =	swait.ge [sflag:s20], $0x8000;
	(pc) =	sbr.rel @p0 .LBB2_2-.Ltmp0, $4  }
0x58: {  	[sflag:s20] =	ssyncset.done $0x0  }
0x59: {  	[sflag:s20] =	ssyncadd.s32 $0xFFFF8000  }
0x5a: {  	_ =	swait.ge [sflag:s20], $0x8000  }
0x5b: {  	s23 =	sadd.s32 $0x80, s23;
	[sflag:s20] =	ssyncset.done $0x0  }
0x5c: {  	s21 =	sadd.s32 $0x1, s21  }
0x5d: {  	p0 =	sne.s32 s21, s4  }
.Ltmp1:
0x5e: {  	_ = 	snop;
	(pc) =	sbr.rel @p0 .LBB2_1-.Ltmp1, $2  }
0x5f: {  	_ =	sdelay $0x2  }
0x60: {  	[sflag:s20] =	ssyncadd.s32 $0xFFFF8000  }
0x61: {  	_ =	sfence.sel $0x180000  }
0x62: {  	[bflag:$0x0] =	sbarrier.arrive $0xFFFF  }
0x63: {  	p0 =	sne.s32 s2, $0x0;
	_ =	strace $0x90000047  }
0x64: {  	s0 =	sadd.s32 @!p0 $0x100000, s0;
	[bflag:$0x2] =	sbarrier.arrive $0xFFFF  }
0x65: {  	[sflag:s0] =	ssyncadd.tile.s32 @!p0 $0x1;
	_ =	shalt  }
.Lfunc_end2:
_tile_overlayer_lowered:
.L_overlay_start_2:
0x66: {  	(tag) =	ssettag $0x2  }
0x67: {  	s0 =	rddreg [dreg:$0x0];
	s2 =	stileid.u32  }
0x68: {  	s1 =	rddreg [dreg:$0x1];
	p0 =	sne.s32 s2, $0x0  }
0x69: {  	s3 =	rddreg [dreg:$0x2];
	[bflag:$0x3] =	sbarrier.arrive $0xFFFF;
	s2 =	simm.s32 @!p0 $0x1C05  }
0x6a: {  	[timem:s3], [sflag:s2] =	dma.local @!p0 [hbm:s0], s1  }
0x6b: {  	s0 =	simm.s32 @!p0 $0x5  }
0x6c: {  	_ =	swait.ge @!p0 [sflag:s0], s1  }
0x6d: {  	s1 =	ssub.s32 @!p0 $0x0, s1;
	[sflag:s0] =	ssyncset.done @!p0 $0x0  }
0x6e: {  	[sflag:s0] =	ssyncadd.s32 @!p0 s1  }
0x6f: {  	[bflag:$0x3] =	sbarrier.arrive $0xFFFF  }
0x70: {  	_ =	shalt  }

</sc_bundles>
